<compile_context>
chip_gen: v7x
topology: tpu7x:2x2x1
jax: 0.10.2.dev20260603
libtpu: 0.0.44.dev20260713+nightly
codegen_flags: <defaults>
</compile_context>

<pallas_src>
import functools

import jax
import jax.numpy as jnp
from jax import lax
from jax.experimental import pallas as pl
from jax.experimental.pallas import tpu as pltpu
from jax.experimental.pallas import tpu_sc as plsc

VOCAB = 1000
DIM = 300
BATCH = 4096
HIST = 50
NUM_FLAT = BATCH * HIST

LANES = 16
NUM_WORKERS = 32
CHUNK = NUM_FLAT // NUM_WORKERS
NSTAGE = 2
QUARTER = CHUNK // NSTAGE
EX_PER_WORKER = BATCH // NUM_WORKERS

SLAB = 128
NUM_SLABS = 8
G_ROWS = NUM_SLABS * VOCAB


def _tc_body(ct_ref, xt_ref, g_ref):
    ct = lax.transpose(ct_ref[...], (1, 0))
    xt = jnp.pad(xt_ref[...], ((0, 0), (0, NUM_SLABS * SLAB - VOCAB)))
    g = lax.dot_general(
        ct,
        xt,
        (((1,), (0,)), ((), ())),
        preferred_element_type=jnp.float32,
        precision=lax.Precision.DEFAULT,
    )
    for c in range(NUM_SLABS):
        g_ref[pl.ds(c * VOCAB, VOCAB), :] = g[:, c * SLAB : (c + 1) * SLAB]


def _tc_stage(center_table_t, context_table_t):
    return pl.pallas_call(
        _tc_body,
        out_shape=jax.ShapeDtypeStruct((G_ROWS, SLAB), jnp.float32),
    )(center_table_t, context_table_t)


def _sc_gather(g16, cid, ctx_flat):
    mesh = plsc.VectorSubcoreMesh(core_axis_name="core", subcore_axis_name="subcore")

    @functools.partial(
        pl.kernel,
        out_type=jax.ShapeDtypeStruct((HIST, BATCH), jnp.float32),
        mesh=mesh,
        scratch_types=[
            pltpu.VMEM((EX_PER_WORKER,), jnp.int32),
            pltpu.VMEM((CHUNK,), jnp.int32),
            [pltpu.VMEM((QUARTER,), jnp.int32) for _ in range(NSTAGE)],
            [pltpu.VMEM((QUARTER, LANES), jnp.float32) for _ in range(NSTAGE)],
            pltpu.VMEM((HIST, EX_PER_WORKER), jnp.float32),
            [pltpu.SemaphoreType.DMA for _ in range(NSTAGE)],
        ],
        compiler_params=pltpu.CompilerParams(
            use_tc_tiling_on_sc=False,
            needs_layout_passes=False,
            skip_device_barrier=True,
        ),
    )
    def k(g_hbm, cid_hbm, ctx_hbm, o_hbm, cid_v, ctx_v, row_q, rows_q, out_v, sems):
        wid = lax.axis_index("subcore") * 2 + lax.axis_index("core")
        base = wid * CHUNK
        pltpu.sync_copy(cid_hbm.at[pl.ds(wid * EX_PER_WORKER, EX_PER_WORKER)], cid_v)
        pltpu.sync_copy(ctx_hbm.at[pl.ds(base, CHUNK)], ctx_v)

        iota = lax.iota(jnp.int32, LANES)
        iota_h = iota * HIST
        b16s = EX_PER_WORKER // LANES // NSTAGE

        def compute_rows(stage, row_ref):
            @plsc.parallel_loop(0, HIST, step=1, unroll=2)
            def _(l):
                for g in range(b16s):
                    boff = (stage * b16s + g) * LANES
                    ctxv = plsc.load_gather(ctx_v, [iota_h + (boff * HIST + l)])
                    cidv = cid_v[pl.ds(boff, LANES)]
                    row_ref[pl.ds(l * (b16s * LANES) + g * LANES, LANES)] = (
                        (lax.shift_right_logical(ctxv, 7) * VOCAB + cidv) * 8
                        + lax.bitwise_and(lax.shift_right_logical(ctxv, 4), 7)
                    )

        def select(stage, rows_ref):
            @plsc.parallel_loop(0, HIST, step=1, unroll=2)
            def _(l):
                for g in range(b16s):
                    boff = (stage * b16s + g) * LANES
                    ctxv = plsc.load_gather(ctx_v, [iota_h + (boff * HIST + l)])
                    lane = lax.bitwise_and(ctxv, LANES - 1)
                    jvec = iota + (l * (b16s * LANES) + g * LANES)
                    vals = plsc.load_gather(rows_ref, [jvec, lane])
                    out_v[l, pl.ds(boff, LANES)] = vals

        dmas = []
        for s in range(NSTAGE):
            compute_rows(s, row_q[s])
            dmas.append(pltpu.async_copy(g_hbm.at[row_q[s]], rows_q[s], sems[s]))
        for s in range(NSTAGE):
            dmas[s].wait()
            select(s, rows_q[s])

        pltpu.sync_copy(out_v, o_hbm.at[:, pl.ds(wid * EX_PER_WORKER, EX_PER_WORKER)])

    return k(g16, cid, ctx_flat)


def kernel(center_ids, context_ids, center_table, context_table):
    g_hat = _tc_stage(center_table.T, context_table.T)
    scores_t = _sc_gather(
        g_hat.reshape(G_ROWS * SLAB // LANES, LANES),
        center_ids,
        context_ids.reshape(NUM_FLAT),
    )
    return scores_t.T

# --- scband reference (transcript-rebuilt; emitter-appended) ---
"""Pipeline reference for scband-random-initialized-embeddings-32091995635881 (READ-ONLY COPY).

The authoritative reference and input builder live on the scoring server;
editing this copy changes nothing except your own understanding.
"""

import jax, jax.numpy as jnp
import numpy as np

VOCAB = 1000
DIM = 300
BATCH = 4096
HIST = 50

def setup_inputs(seed: int = 0) -> dict:
    key = jax.random.key(seed)
    k1, k2, k3, k4 = jax.random.split(key, 4)
    center_ids = jax.random.randint(k1, (BATCH,), 0, VOCAB)
    context_ids = jax.random.randint(k2, (BATCH, HIST), 0, VOCAB)
    # learned parameters: nn.Embedding default init is N(0, 1)
    center_table = jax.random.normal(k3, (VOCAB, DIM), dtype=jnp.float32)
    context_table = jax.random.normal(k4, (VOCAB, DIM), dtype=jnp.float32)
    return {
        "center_ids": center_ids,
        "context_ids": context_ids,
        "center_table": center_table,
        "context_table": context_table,
    }

def reference(center_ids, context_ids, center_table, context_table):
    # skip-gram style forward: gather center embedding for each example,
    # gather context (pos+neg) embeddings, score via dot product.
    center_emb = jnp.take(center_table, center_ids, axis=0)      # [B, D]
    context_emb = jnp.take(context_table, context_ids, axis=0)   # [B, L, D]
    scores = jnp.einsum('bd,bld->bl', center_emb, context_emb)   # [B, L]
    return scores

if __name__ == "__main__":
    import jax
    _d = setup_inputs()
    print(jax.jit(kernel)(*tuple(_d.values())))

</pallas_src>

<mosaic_0001>
#map = affine_map<(d0, d1) -> (0, 0)>
#map1 = affine_map<(d0, d1) -> (0)>
module attributes {stable_mosaic.version = 14 : i64} {
  func.func @k(%arg0: i32, %arg1: i32, %arg2: memref<64000x16xf32, #tpu.memory_space<hbm>>, %arg3: memref<4096xi32, #tpu.memory_space<hbm>>, %arg4: memref<204800xi32, #tpu.memory_space<hbm>>, %arg5: memref<50x4096xf32, #tpu.memory_space<hbm>>, %arg6: memref<128xi32, #tpu.memory_space<vmem>>, %arg7: memref<6400xi32, #tpu.memory_space<vmem>>, %arg8: memref<3200xi32, #tpu.memory_space<vmem>>, %arg9: memref<3200xi32, #tpu.memory_space<vmem>>, %arg10: memref<3200x16xf32, #tpu.memory_space<vmem>>, %arg11: memref<3200x16xf32, #tpu.memory_space<vmem>>, %arg12: memref<50x128xf32, #tpu.memory_space<vmem>>, %arg13: memref<!tpu.dma_semaphore, #tpu.memory_space<semaphore_mem>>, %arg14: memref<!tpu.dma_semaphore, #tpu.memory_space<semaphore_mem>>) attributes {dimension_semantics = [#tpu.dimension_semantics<core_parallel>, #tpu.dimension_semantics<subcore_parallel>], iteration_bounds = array<i64: 2, 16>, scalar_prefetch = 0 : i64, scratch_operands = 9 : i64, tpu.core_type = #tpu.core_type<sc_vector_subcore>, window_params = [{transform_indices = #map}, {transform_indices = #map1}, {transform_indices = #map1}, {transform_indices = #map}]} {
    %mul3A = arith.constant 2 : i32
    %mul3A_0 = arith.muli %arg1, %mul3A : i32
    %add3A = arith.addi %mul3A_0, %arg0 : i32
    %mul3A_1 = arith.constant 6400 : i32
    %mul3A_2 = arith.muli %add3A, %mul3A_1 : i32
    %mul3A_3 = arith.constant 128 : i32
    %mul3A_4 = arith.muli %add3A, %mul3A_3 : i32
    "tpu.region"() ({
      %run_scoped3A = tpu.sem_alloc : memref<!tpu.dma_semaphore, #tpu.memory_space<semaphore_mem>>
      %dma_start3A_31 = tpu.memref_slice %arg3[%mul3A_4] : memref<4096xi32, #tpu.memory_space<hbm>> -> memref<128xi32, #tpu.memory_space<hbm>>
      %dma_start3A_32 = tpu.memref_slice %arg3[%mul3A_4] : memref<4096xi32, #tpu.memory_space<hbm>> -> memref<128xi32, #tpu.memory_space<hbm>>
      tpu.enqueue_dma source(%dma_start3A_32 : memref<128xi32, #tpu.memory_space<hbm>>) target(%arg6 : memref<128xi32, #tpu.memory_space<vmem>>) target_semaphore(%run_scoped3A : memref<!tpu.dma_semaphore, #tpu.memory_space<semaphore_mem>>)
      %dma_wait3A_33 = tpu.memref_slice %arg3[%mul3A_4] : memref<4096xi32, #tpu.memory_space<hbm>> -> memref<128xi32, #tpu.memory_space<hbm>>
      %dma_wait3A_34 = tpu.memref_slice %arg3[%mul3A_4] : memref<4096xi32, #tpu.memory_space<hbm>> -> memref<128xi32, #tpu.memory_space<hbm>>
      tpu.wait_dma2 semaphore(%run_scoped3A : memref<!tpu.dma_semaphore, #tpu.memory_space<semaphore_mem>>) src(%dma_wait3A_34 : memref<128xi32, #tpu.memory_space<hbm>>) dst(%arg6 : memref<128xi32, #tpu.memory_space<vmem>>)
      tpu.yield
    }) : () -> ()
    "tpu.region"() ({
      %run_scoped3A = tpu.sem_alloc : memref<!tpu.dma_semaphore, #tpu.memory_space<semaphore_mem>>
      %dma_start3A_31 = tpu.memref_slice %arg4[%mul3A_2] : memref<204800xi32, #tpu.memory_space<hbm>> -> memref<6400xi32, #tpu.memory_space<hbm>>
      %dma_start3A_32 = tpu.memref_slice %arg4[%mul3A_2] : memref<204800xi32, #tpu.memory_space<hbm>> -> memref<6400xi32, #tpu.memory_space<hbm>>
      tpu.enqueue_dma source(%dma_start3A_32 : memref<6400xi32, #tpu.memory_space<hbm>>) target(%arg7 : memref<6400xi32, #tpu.memory_space<vmem>>) target_semaphore(%run_scoped3A : memref<!tpu.dma_semaphore, #tpu.memory_space<semaphore_mem>>)
      %dma_wait3A_33 = tpu.memref_slice %arg4[%mul3A_2] : memref<204800xi32, #tpu.memory_space<hbm>> -> memref<6400xi32, #tpu.memory_space<hbm>>
      %dma_wait3A_34 = tpu.memref_slice %arg4[%mul3A_2] : memref<204800xi32, #tpu.memory_space<hbm>> -> memref<6400xi32, #tpu.memory_space<hbm>>
      tpu.wait_dma2 semaphore(%run_scoped3A : memref<!tpu.dma_semaphore, #tpu.memory_space<semaphore_mem>>) src(%dma_wait3A_34 : memref<6400xi32, #tpu.memory_space<hbm>>) dst(%arg7 : memref<6400xi32, #tpu.memory_space<vmem>>)
      tpu.yield
    }) : () -> ()
    %iota3A = tpu.iota {dimensions = array<i32: 0>} : vector<16xi32>
    %mul3A_5 = arith.constant 50 : i32
    %mul3A_6 = vector.broadcast %mul3A_5 : i32 to vector<16xi32>
    %mul3A_7 = arith.muli %iota3A, %mul3A_6 : vector<16xi32>
    %parallel_loop3A = arith.constant 0 : i32
    %parallel_loop3A_8 = arith.constant 50 : i32
    %parallel_loop3A_9 = arith.constant 1 : i32
    scf.for %parallel_loop3A_31 = %parallel_loop3A to %parallel_loop3A_8 step %parallel_loop3A_9  : i32 {
      %parallel_loop3A_32 = arith.constant 0 : i32
      %parallel_loop3A_33 = arith.addi %parallel_loop3A_32, %parallel_loop3A_31 : i32
      %parallel_loop3A_34 = vector.broadcast %parallel_loop3A_33 : i32 to vector<16xi32>
      %parallel_loop3A_35 = arith.addi %mul3A_7, %parallel_loop3A_34 : vector<16xi32>
      %parallel_loop3A_36 = tpu.vector_load_idx %arg7[%parallel_loop3A_35] : memref<6400xi32, #tpu.memory_space<vmem>>[vector<16xi32>], vector<16xi32>,
      %parallel_loop3A_37 = arith.constant 0 : index
      %parallel_loop3A_38 = tpu.vector_load %arg6[%parallel_loop3A_37] {strides = array<i32>} : memref<128xi32, #tpu.memory_space<vmem>>, vector<16xi32>,
      %parallel_loop3A_39 = arith.constant 7 : i32
      %parallel_loop3A_40 = vector.broadcast %parallel_loop3A_39 : i32 to vector<16xi32>
      %parallel_loop3A_41 = arith.shrui %parallel_loop3A_36, %parallel_loop3A_40 : vector<16xi32>
      %parallel_loop3A_42 = arith.constant 1000 : i32
      %parallel_loop3A_43 = vector.broadcast %parallel_loop3A_42 : i32 to vector<16xi32>
      %parallel_loop3A_44 = arith.muli %parallel_loop3A_41, %parallel_loop3A_43 : vector<16xi32>
      %parallel_loop3A_45 = arith.addi %parallel_loop3A_44, %parallel_loop3A_38 : vector<16xi32>
      %parallel_loop3A_46 = arith.constant 8 : i32
      %parallel_loop3A_47 = vector.broadcast %parallel_loop3A_46 : i32 to vector<16xi32>
      %parallel_loop3A_48 = arith.muli %parallel_loop3A_45, %parallel_loop3A_47 : vector<16xi32>
      %parallel_loop3A_49 = arith.constant 4 : i32
      %parallel_loop3A_50 = vector.broadcast %parallel_loop3A_49 : i32 to vector<16xi32>
      %parallel_loop3A_51 = arith.shrui %parallel_loop3A_36, %parallel_loop3A_50 : vector<16xi32>
      %parallel_loop3A_52 = arith.constant 7 : i32
      %parallel_loop3A_53 = vector.broadcast %parallel_loop3A_52 : i32 to vector<16xi32>
      %parallel_loop3A_54 = arith.andi %parallel_loop3A_51, %parallel_loop3A_53 : vector<16xi32>
      %parallel_loop3A_55 = arith.addi %parallel_loop3A_48, %parallel_loop3A_54 : vector<16xi32>
      %parallel_loop3A_56 = arith.constant 64 : i32
      %parallel_loop3A_57 = arith.muli %parallel_loop3A_31, %parallel_loop3A_56 : i32
      %parallel_loop3A_58 = arith.constant 0 : i32
      %parallel_loop3A_59 = arith.addi %parallel_loop3A_57, %parallel_loop3A_58 : i32
      %parallel_loop3A_60 = arith.index_cast %parallel_loop3A_59 : i32 to index
      %parallel_loop3A_61 = tpu.vector_load %arg8[%parallel_loop3A_60] {strides = array<i32>} : memref<3200xi32, #tpu.memory_space<vmem>>, vector<16xi32>,
      tpu.vector_store %arg8[%parallel_loop3A_60], %parallel_loop3A_55 {strides = array<i32>} : memref<3200xi32, #tpu.memory_space<vmem>>, vector<16xi32>,
      %parallel_loop3A_62 = arith.constant 800 : i32
      %parallel_loop3A_63 = arith.addi %parallel_loop3A_62, %parallel_loop3A_31 : i32
      %parallel_loop3A_64 = vector.broadcast %parallel_loop3A_63 : i32 to vector<16xi32>
      %parallel_loop3A_65 = arith.addi %mul3A_7, %parallel_loop3A_64 : vector<16xi32>
      %parallel_loop3A_66 = tpu.vector_load_idx %arg7[%parallel_loop3A_65] : memref<6400xi32, #tpu.memory_space<vmem>>[vector<16xi32>], vector<16xi32>,
      %parallel_loop3A_67 = arith.constant 16 : index
      %parallel_loop3A_68 = tpu.vector_load %arg6[%parallel_loop3A_67] {strides = array<i32>} : memref<128xi32, #tpu.memory_space<vmem>>, vector<16xi32>,
      %parallel_loop3A_69 = arith.constant 7 : i32
      %parallel_loop3A_70 = vector.broadcast %parallel_loop3A_69 : i32 to vector<16xi32>
      %parallel_loop3A_71 = arith.shrui %parallel_loop3A_66, %parallel_loop3A_70 : vector<16xi32>
      %parallel_loop3A_72 = arith.constant 1000 : i32
      %parallel_loop3A_73 = vector.broadcast %parallel_loop3A_72 : i32 to vector<16xi32>
      %parallel_loop3A_74 = arith.muli %parallel_loop3A_71, %parallel_loop3A_73 : vector<16xi32>
      %parallel_loop3A_75 = arith.addi %parallel_loop3A_74, %parallel_loop3A_68 : vector<16xi32>
      %parallel_loop3A_76 = arith.constant 8 : i32
      %parallel_loop3A_77 = vector.broadcast %parallel_loop3A_76 : i32 to vector<16xi32>
      %parallel_loop3A_78 = arith.muli %parallel_loop3A_75, %parallel_loop3A_77 : vector<16xi32>
      %parallel_loop3A_79 = arith.constant 4 : i32
      %parallel_loop3A_80 = vector.broadcast %parallel_loop3A_79 : i32 to vector<16xi32>
      %parallel_loop3A_81 = arith.shrui %parallel_loop3A_66, %parallel_loop3A_80 : vector<16xi32>
      %parallel_loop3A_82 = arith.constant 7 : i32
      %parallel_loop3A_83 = vector.broadcast %parallel_loop3A_82 : i32 to vector<16xi32>
      %parallel_loop3A_84 = arith.andi %parallel_loop3A_81, %parallel_loop3A_83 : vector<16xi32>
      %parallel_loop3A_85 = arith.addi %parallel_loop3A_78, %parallel_loop3A_84 : vector<16xi32>
      %parallel_loop3A_86 = arith.constant 64 : i32
      %parallel_loop3A_87 = arith.muli %parallel_loop3A_31, %parallel_loop3A_86 : i32
      %parallel_loop3A_88 = arith.constant 16 : i32
      %parallel_loop3A_89 = arith.addi %parallel_loop3A_87, %parallel_loop3A_88 : i32
      %parallel_loop3A_90 = arith.index_cast %parallel_loop3A_89 : i32 to index
      %parallel_loop3A_91 = tpu.vector_load %arg8[%parallel_loop3A_90] {strides = array<i32>} : memref<3200xi32, #tpu.memory_space<vmem>>, vector<16xi32>,
      tpu.vector_store %arg8[%parallel_loop3A_90], %parallel_loop3A_85 {strides = array<i32>} : memref<3200xi32, #tpu.memory_space<vmem>>, vector<16xi32>,
      %parallel_loop3A_92 = arith.constant 1600 : i32
      %parallel_loop3A_93 = arith.addi %parallel_loop3A_92, %parallel_loop3A_31 : i32
      %parallel_loop3A_94 = vector.broadcast %parallel_loop3A_93 : i32 to vector<16xi32>
      %parallel_loop3A_95 = arith.addi %mul3A_7, %parallel_loop3A_94 : vector<16xi32>
      %parallel_loop3A_96 = tpu.vector_load_idx %arg7[%parallel_loop3A_95] : memref<6400xi32, #tpu.memory_space<vmem>>[vector<16xi32>], vector<16xi32>,
      %parallel_loop3A_97 = arith.constant 32 : index
      %parallel_loop3A_98 = tpu.vector_load %arg6[%parallel_loop3A_97] {strides = array<i32>} : memref<128xi32, #tpu.memory_space<vmem>>, vector<16xi32>,
      %parallel_loop3A_99 = arith.constant 7 : i32
      %parallel_loop3A_100 = vector.broadcast %parallel_loop3A_99 : i32 to vector<16xi32>
      %parallel_loop3A_101 = arith.shrui %parallel_loop3A_96, %parallel_loop3A_100 : vector<16xi32>
      %parallel_loop3A_102 = arith.constant 1000 : i32
      %parallel_loop3A_103 = vector.broadcast %parallel_loop3A_102 : i32 to vector<16xi32>
      %parallel_loop3A_104 = arith.muli %parallel_loop3A_101, %parallel_loop3A_103 : vector<16xi32>
      %parallel_loop3A_105 = arith.addi %parallel_loop3A_104, %parallel_loop3A_98 : vector<16xi32>
      %parallel_loop3A_106 = arith.constant 8 : i32
      %parallel_loop3A_107 = vector.broadcast %parallel_loop3A_106 : i32 to vector<16xi32>
      %parallel_loop3A_108 = arith.muli %parallel_loop3A_105, %parallel_loop3A_107 : vector<16xi32>
      %parallel_loop3A_109 = arith.constant 4 : i32
      %parallel_loop3A_110 = vector.broadcast %parallel_loop3A_109 : i32 to vector<16xi32>
      %parallel_loop3A_111 = arith.shrui %parallel_loop3A_96, %parallel_loop3A_110 : vector<16xi32>
      %parallel_loop3A_112 = arith.constant 7 : i32
      %parallel_loop3A_113 = vector.broadcast %parallel_loop3A_112 : i32 to vector<16xi32>
      %parallel_loop3A_114 = arith.andi %parallel_loop3A_111, %parallel_loop3A_113 : vector<16xi32>
      %parallel_loop3A_115 = arith.addi %parallel_loop3A_108, %parallel_loop3A_114 : vector<16xi32>
      %parallel_loop3A_116 = arith.constant 64 : i32
      %parallel_loop3A_117 = arith.muli %parallel_loop3A_31, %parallel_loop3A_116 : i32
      %parallel_loop3A_118 = arith.constant 32 : i32
      %parallel_loop3A_119 = arith.addi %parallel_loop3A_117, %parallel_loop3A_118 : i32
      %parallel_loop3A_120 = arith.index_cast %parallel_loop3A_119 : i32 to index
      %parallel_loop3A_121 = tpu.vector_load %arg8[%parallel_loop3A_120] {strides = array<i32>} : memref<3200xi32, #tpu.memory_space<vmem>>, vector<16xi32>,
      tpu.vector_store %arg8[%parallel_loop3A_120], %parallel_loop3A_115 {strides = array<i32>} : memref<3200xi32, #tpu.memory_space<vmem>>, vector<16xi32>,
      %parallel_loop3A_122 = arith.constant 2400 : i32
      %parallel_loop3A_123 = arith.addi %parallel_loop3A_122, %parallel_loop3A_31 : i32
      %parallel_loop3A_124 = vector.broadcast %parallel_loop3A_123 : i32 to vector<16xi32>
      %parallel_loop3A_125 = arith.addi %mul3A_7, %parallel_loop3A_124 : vector<16xi32>
      %parallel_loop3A_126 = tpu.vector_load_idx %arg7[%parallel_loop3A_125] : memref<6400xi32, #tpu.memory_space<vmem>>[vector<16xi32>], vector<16xi32>,
      %parallel_loop3A_127 = arith.constant 48 : index
      %parallel_loop3A_128 = tpu.vector_load %arg6[%parallel_loop3A_127] {strides = array<i32>} : memref<128xi32, #tpu.memory_space<vmem>>, vector<16xi32>,
      %parallel_loop3A_129 = arith.constant 7 : i32
      %parallel_loop3A_130 = vector.broadcast %parallel_loop3A_129 : i32 to vector<16xi32>
      %parallel_loop3A_131 = arith.shrui %parallel_loop3A_126, %parallel_loop3A_130 : vector<16xi32>
      %parallel_loop3A_132 = arith.constant 1000 : i32
      %parallel_loop3A_133 = vector.broadcast %parallel_loop3A_132 : i32 to vector<16xi32>
      %parallel_loop3A_134 = arith.muli %parallel_loop3A_131, %parallel_loop3A_133 : vector<16xi32>
      %parallel_loop3A_135 = arith.addi %parallel_loop3A_134, %parallel_loop3A_128 : vector<16xi32>
      %parallel_loop3A_136 = arith.constant 8 : i32
      %parallel_loop3A_137 = vector.broadcast %parallel_loop3A_136 : i32 to vector<16xi32>
      %parallel_loop3A_138 = arith.muli %parallel_loop3A_135, %parallel_loop3A_137 : vector<16xi32>
      %parallel_loop3A_139 = arith.constant 4 : i32
      %parallel_loop3A_140 = vector.broadcast %parallel_loop3A_139 : i32 to vector<16xi32>
      %parallel_loop3A_141 = arith.shrui %parallel_loop3A_126, %parallel_loop3A_140 : vector<16xi32>
      %parallel_loop3A_142 = arith.constant 7 : i32
      %parallel_loop3A_143 = vector.broadcast %parallel_loop3A_142 : i32 to vector<16xi32>
      %parallel_loop3A_144 = arith.andi %parallel_loop3A_141, %parallel_loop3A_143 : vector<16xi32>
      %parallel_loop3A_145 = arith.addi %parallel_loop3A_138, %parallel_loop3A_144 : vector<16xi32>
      %parallel_loop3A_146 = arith.constant 64 : i32
      %parallel_loop3A_147 = arith.muli %parallel_loop3A_31, %parallel_loop3A_146 : i32
      %parallel_loop3A_148 = arith.constant 48 : i32
      %parallel_loop3A_149 = arith.addi %parallel_loop3A_147, %parallel_loop3A_148 : i32
      %parallel_loop3A_150 = arith.index_cast %parallel_loop3A_149 : i32 to index
      %parallel_loop3A_151 = tpu.vector_load %arg8[%parallel_loop3A_150] {strides = array<i32>} : memref<3200xi32, #tpu.memory_space<vmem>>, vector<16xi32>,
      tpu.vector_store %arg8[%parallel_loop3A_150], %parallel_loop3A_145 {strides = array<i32>} : memref<3200xi32, #tpu.memory_space<vmem>>, vector<16xi32>,
    } {sc.loop_unroll_factor = 2 : i64, sc.parallel_access}
    %dma_start3A = arith.constant 0 : i32
    %dma_start3A_10 = arith.constant 0 : i32
    %dma_start3A_11 = tpu.memref_slice %arg2[%dma_start3A, %dma_start3A_10] : memref<64000x16xf32, #tpu.memory_space<hbm>> -> memref<64000x16xf32, #tpu.memory_space<hbm>>
    tpu.enqueue_indirect_dma source(%dma_start3A_11 : memref<64000x16xf32, #tpu.memory_space<hbm>>) target(%arg10 : memref<3200x16xf32, #tpu.memory_space<vmem>>) offsets(%arg8 : memref<3200xi32, #tpu.memory_space<vmem>>) semaphore(%arg13 : memref<!tpu.dma_semaphore, #tpu.memory_space<semaphore_mem>>)
    %parallel_loop3A_12 = arith.constant 0 : i32
    %parallel_loop3A_13 = arith.constant 50 : i32
    %parallel_loop3A_14 = arith.constant 1 : i32
    scf.for %parallel_loop3A_31 = %parallel_loop3A_12 to %parallel_loop3A_13 step %parallel_loop3A_14  : i32 {
      %parallel_loop3A_32 = arith.constant 3200 : i32
      %parallel_loop3A_33 = arith.addi %parallel_loop3A_32, %parallel_loop3A_31 : i32
      %parallel_loop3A_34 = vector.broadcast %parallel_loop3A_33 : i32 to vector<16xi32>
      %parallel_loop3A_35 = arith.addi %mul3A_7, %parallel_loop3A_34 : vector<16xi32>
      %parallel_loop3A_36 = tpu.vector_load_idx %arg7[%parallel_loop3A_35] : memref<6400xi32, #tpu.memory_space<vmem>>[vector<16xi32>], vector<16xi32>,
      %parallel_loop3A_37 = arith.constant 64 : index
      %parallel_loop3A_38 = tpu.vector_load %arg6[%parallel_loop3A_37] {strides = array<i32>} : memref<128xi32, #tpu.memory_space<vmem>>, vector<16xi32>,
      %parallel_loop3A_39 = arith.constant 7 : i32
      %parallel_loop3A_40 = vector.broadcast %parallel_loop3A_39 : i32 to vector<16xi32>
      %parallel_loop3A_41 = arith.shrui %parallel_loop3A_36, %parallel_loop3A_40 : vector<16xi32>
      %parallel_loop3A_42 = arith.constant 1000 : i32
      %parallel_loop3A_43 = vector.broadcast %parallel_loop3A_42 : i32 to vector<16xi32>
      %parallel_loop3A_44 = arith.muli %parallel_loop3A_41, %parallel_loop3A_43 : vector<16xi32>
      %parallel_loop3A_45 = arith.addi %parallel_loop3A_44, %parallel_loop3A_38 : vector<16xi32>
      %parallel_loop3A_46 = arith.constant 8 : i32
      %parallel_loop3A_47 = vector.broadcast %parallel_loop3A_46 : i32 to vector<16xi32>
      %parallel_loop3A_48 = arith.muli %parallel_loop3A_45, %parallel_loop3A_47 : vector<16xi32>
      %parallel_loop3A_49 = arith.constant 4 : i32
      %parallel_loop3A_50 = vector.broadcast %parallel_loop3A_49 : i32 to vector<16xi32>
      %parallel_loop3A_51 = arith.shrui %parallel_loop3A_36, %parallel_loop3A_50 : vector<16xi32>
      %parallel_loop3A_52 = arith.constant 7 : i32
      %parallel_loop3A_53 = vector.broadcast %parallel_loop3A_52 : i32 to vector<16xi32>
      %parallel_loop3A_54 = arith.andi %parallel_loop3A_51, %parallel_loop3A_53 : vector<16xi32>
      %parallel_loop3A_55 = arith.addi %parallel_loop3A_48, %parallel_loop3A_54 : vector<16xi32>
      %parallel_loop3A_56 = arith.constant 64 : i32
      %parallel_loop3A_57 = arith.muli %parallel_loop3A_31, %parallel_loop3A_56 : i32
      %parallel_loop3A_58 = arith.constant 0 : i32
      %parallel_loop3A_59 = arith.addi %parallel_loop3A_57, %parallel_loop3A_58 : i32
      %parallel_loop3A_60 = arith.index_cast %parallel_loop3A_59 : i32 to index
      %parallel_loop3A_61 = tpu.vector_load %arg9[%parallel_loop3A_60] {strides = array<i32>} : memref<3200xi32, #tpu.memory_space<vmem>>, vector<16xi32>,
      tpu.vector_store %arg9[%parallel_loop3A_60], %parallel_loop3A_55 {strides = array<i32>} : memref<3200xi32, #tpu.memory_space<vmem>>, vector<16xi32>,
      %parallel_loop3A_62 = arith.constant 4000 : i32
      %parallel_loop3A_63 = arith.addi %parallel_loop3A_62, %parallel_loop3A_31 : i32
      %parallel_loop3A_64 = vector.broadcast %parallel_loop3A_63 : i32 to vector<16xi32>
      %parallel_loop3A_65 = arith.addi %mul3A_7, %parallel_loop3A_64 : vector<16xi32>
      %parallel_loop3A_66 = tpu.vector_load_idx %arg7[%parallel_loop3A_65] : memref<6400xi32, #tpu.memory_space<vmem>>[vector<16xi32>], vector<16xi32>,
      %parallel_loop3A_67 = arith.constant 80 : index
      %parallel_loop3A_68 = tpu.vector_load %arg6[%parallel_loop3A_67] {strides = array<i32>} : memref<128xi32, #tpu.memory_space<vmem>>, vector<16xi32>,
      %parallel_loop3A_69 = arith.constant 7 : i32
      %parallel_loop3A_70 = vector.broadcast %parallel_loop3A_69 : i32 to vector<16xi32>
      %parallel_loop3A_71 = arith.shrui %parallel_loop3A_66, %parallel_loop3A_70 : vector<16xi32>
      %parallel_loop3A_72 = arith.constant 1000 : i32
      %parallel_loop3A_73 = vector.broadcast %parallel_loop3A_72 : i32 to vector<16xi32>
      %parallel_loop3A_74 = arith.muli %parallel_loop3A_71, %parallel_loop3A_73 : vector<16xi32>
      %parallel_loop3A_75 = arith.addi %parallel_loop3A_74, %parallel_loop3A_68 : vector<16xi32>
      %parallel_loop3A_76 = arith.constant 8 : i32
      %parallel_loop3A_77 = vector.broadcast %parallel_loop3A_76 : i32 to vector<16xi32>
      %parallel_loop3A_78 = arith.muli %parallel_loop3A_75, %parallel_loop3A_77 : vector<16xi32>
      %parallel_loop3A_79 = arith.constant 4 : i32
      %parallel_loop3A_80 = vector.broadcast %parallel_loop3A_79 : i32 to vector<16xi32>
      %parallel_loop3A_81 = arith.shrui %parallel_loop3A_66, %parallel_loop3A_80 : vector<16xi32>
      %parallel_loop3A_82 = arith.constant 7 : i32
      %parallel_loop3A_83 = vector.broadcast %parallel_loop3A_82 : i32 to vector<16xi32>
      %parallel_loop3A_84 = arith.andi %parallel_loop3A_81, %parallel_loop3A_83 : vector<16xi32>
      %parallel_loop3A_85 = arith.addi %parallel_loop3A_78, %parallel_loop3A_84 : vector<16xi32>
      %parallel_loop3A_86 = arith.constant 64 : i32
      %parallel_loop3A_87 = arith.muli %parallel_loop3A_31, %parallel_loop3A_86 : i32
      %parallel_loop3A_88 = arith.constant 16 : i32
      %parallel_loop3A_89 = arith.addi %parallel_loop3A_87, %parallel_loop3A_88 : i32
      %parallel_loop3A_90 = arith.index_cast %parallel_loop3A_89 : i32 to index
      %parallel_loop3A_91 = tpu.vector_load %arg9[%parallel_loop3A_90] {strides = array<i32>} : memref<3200xi32, #tpu.memory_space<vmem>>, vector<16xi32>,
      tpu.vector_store %arg9[%parallel_loop3A_90], %parallel_loop3A_85 {strides = array<i32>} : memref<3200xi32, #tpu.memory_space<vmem>>, vector<16xi32>,
      %parallel_loop3A_92 = arith.constant 4800 : i32
      %parallel_loop3A_93 = arith.addi %parallel_loop3A_92, %parallel_loop3A_31 : i32
      %parallel_loop3A_94 = vector.broadcast %parallel_loop3A_93 : i32 to vector<16xi32>
      %parallel_loop3A_95 = arith.addi %mul3A_7, %parallel_loop3A_94 : vector<16xi32>
      %parallel_loop3A_96 = tpu.vector_load_idx %arg7[%parallel_loop3A_95] : memref<6400xi32, #tpu.memory_space<vmem>>[vector<16xi32>], vector<16xi32>,
      %parallel_loop3A_97 = arith.constant 96 : index
      %parallel_loop3A_98 = tpu.vector_load %arg6[%parallel_loop3A_97] {strides = array<i32>} : memref<128xi32, #tpu.memory_space<vmem>>, vector<16xi32>,
      %parallel_loop3A_99 = arith.constant 7 : i32
      %parallel_loop3A_100 = vector.broadcast %parallel_loop3A_99 : i32 to vector<16xi32>
      %parallel_loop3A_101 = arith.shrui %parallel_loop3A_96, %parallel_loop3A_100 : vector<16xi32>
      %parallel_loop3A_102 = arith.constant 1000 : i32
      %parallel_loop3A_103 = vector.broadcast %parallel_loop3A_102 : i32 to vector<16xi32>
      %parallel_loop3A_104 = arith.muli %parallel_loop3A_101, %parallel_loop3A_103 : vector<16xi32>
      %parallel_loop3A_105 = arith.addi %parallel_loop3A_104, %parallel_loop3A_98 : vector<16xi32>
      %parallel_loop3A_106 = arith.constant 8 : i32
      %parallel_loop3A_107 = vector.broadcast %parallel_loop3A_106 : i32 to vector<16xi32>
      %parallel_loop3A_108 = arith.muli %parallel_loop3A_105, %parallel_loop3A_107 : vector<16xi32>
      %parallel_loop3A_109 = arith.constant 4 : i32
      %parallel_loop3A_110 = vector.broadcast %parallel_loop3A_109 : i32 to vector<16xi32>
      %parallel_loop3A_111 = arith.shrui %parallel_loop3A_96, %parallel_loop3A_110 : vector<16xi32>
      %parallel_loop3A_112 = arith.constant 7 : i32
      %parallel_loop3A_113 = vector.broadcast %parallel_loop3A_112 : i32 to vector<16xi32>
      %parallel_loop3A_114 = arith.andi %parallel_loop3A_111, %parallel_loop3A_113 : vector<16xi32>
      %parallel_loop3A_115 = arith.addi %parallel_loop3A_108, %parallel_loop3A_114 : vector<16xi32>
      %parallel_loop3A_116 = arith.constant 64 : i32
      %parallel_loop3A_117 = arith.muli %parallel_loop3A_31, %parallel_loop3A_116 : i32
      %parallel_loop3A_118 = arith.constant 32 : i32
      %parallel_loop3A_119 = arith.addi %parallel_loop3A_117, %parallel_loop3A_118 : i32
      %parallel_loop3A_120 = arith.index_cast %parallel_loop3A_119 : i32 to index
      %parallel_loop3A_121 = tpu.vector_load %arg9[%parallel_loop3A_120] {strides = array<i32>} : memref<3200xi32, #tpu.memory_space<vmem>>, vector<16xi32>,
      tpu.vector_store %arg9[%parallel_loop3A_120], %parallel_loop3A_115 {strides = array<i32>} : memref<3200xi32, #tpu.memory_space<vmem>>, vector<16xi32>,
      %parallel_loop3A_122 = arith.constant 5600 : i32
      %parallel_loop3A_123 = arith.addi %parallel_loop3A_122, %parallel_loop3A_31 : i32
      %parallel_loop3A_124 = vector.broadcast %parallel_loop3A_123 : i32 to vector<16xi32>
      %parallel_loop3A_125 = arith.addi %mul3A_7, %parallel_loop3A_124 : vector<16xi32>
      %parallel_loop3A_126 = tpu.vector_load_idx %arg7[%parallel_loop3A_125] : memref<6400xi32, #tpu.memory_space<vmem>>[vector<16xi32>], vector<16xi32>,
      %parallel_loop3A_127 = arith.constant 112 : index
      %parallel_loop3A_128 = tpu.vector_load %arg6[%parallel_loop3A_127] {strides = array<i32>} : memref<128xi32, #tpu.memory_space<vmem>>, vector<16xi32>,
      %parallel_loop3A_129 = arith.constant 7 : i32
      %parallel_loop3A_130 = vector.broadcast %parallel_loop3A_129 : i32 to vector<16xi32>
      %parallel_loop3A_131 = arith.shrui %parallel_loop3A_126, %parallel_loop3A_130 : vector<16xi32>
      %parallel_loop3A_132 = arith.constant 1000 : i32
      %parallel_loop3A_133 = vector.broadcast %parallel_loop3A_132 : i32 to vector<16xi32>
      %parallel_loop3A_134 = arith.muli %parallel_loop3A_131, %parallel_loop3A_133 : vector<16xi32>
      %parallel_loop3A_135 = arith.addi %parallel_loop3A_134, %parallel_loop3A_128 : vector<16xi32>
      %parallel_loop3A_136 = arith.constant 8 : i32
      %parallel_loop3A_137 = vector.broadcast %parallel_loop3A_136 : i32 to vector<16xi32>
      %parallel_loop3A_138 = arith.muli %parallel_loop3A_135, %parallel_loop3A_137 : vector<16xi32>
      %parallel_loop3A_139 = arith.constant 4 : i32
      %parallel_loop3A_140 = vector.broadcast %parallel_loop3A_139 : i32 to vector<16xi32>
      %parallel_loop3A_141 = arith.shrui %parallel_loop3A_126, %parallel_loop3A_140 : vector<16xi32>
      %parallel_loop3A_142 = arith.constant 7 : i32
      %parallel_loop3A_143 = vector.broadcast %parallel_loop3A_142 : i32 to vector<16xi32>
      %parallel_loop3A_144 = arith.andi %parallel_loop3A_141, %parallel_loop3A_143 : vector<16xi32>
      %parallel_loop3A_145 = arith.addi %parallel_loop3A_138, %parallel_loop3A_144 : vector<16xi32>
      %parallel_loop3A_146 = arith.constant 64 : i32
      %parallel_loop3A_147 = arith.muli %parallel_loop3A_31, %parallel_loop3A_146 : i32
      %parallel_loop3A_148 = arith.constant 48 : i32
      %parallel_loop3A_149 = arith.addi %parallel_loop3A_147, %parallel_loop3A_148 : i32
      %parallel_loop3A_150 = arith.index_cast %parallel_loop3A_149 : i32 to index
      %parallel_loop3A_151 = tpu.vector_load %arg9[%parallel_loop3A_150] {strides = array<i32>} : memref<3200xi32, #tpu.memory_space<vmem>>, vector<16xi32>,
      tpu.vector_store %arg9[%parallel_loop3A_150], %parallel_loop3A_145 {strides = array<i32>} : memref<3200xi32, #tpu.memory_space<vmem>>, vector<16xi32>,
    } {sc.loop_unroll_factor = 2 : i64, sc.parallel_access}
    %dma_start3A_15 = arith.constant 0 : i32
    %dma_start3A_16 = arith.constant 0 : i32
    %dma_start3A_17 = tpu.memref_slice %arg2[%dma_start3A_15, %dma_start3A_16] : memref<64000x16xf32, #tpu.memory_space<hbm>> -> memref<64000x16xf32, #tpu.memory_space<hbm>>
    tpu.enqueue_indirect_dma source(%dma_start3A_17 : memref<64000x16xf32, #tpu.memory_space<hbm>>) target(%arg11 : memref<3200x16xf32, #tpu.memory_space<vmem>>) offsets(%arg9 : memref<3200xi32, #tpu.memory_space<vmem>>) semaphore(%arg14 : memref<!tpu.dma_semaphore, #tpu.memory_space<semaphore_mem>>)
    %dma_wait3A = arith.constant 0 : i32
    %dma_wait3A_18 = arith.constant 0 : i32
    %dma_wait3A_19 = tpu.memref_slice %arg2[%dma_wait3A, %dma_wait3A_18] : memref<64000x16xf32, #tpu.memory_space<hbm>> -> memref<64000x16xf32, #tpu.memory_space<hbm>>
    tpu.wait_indirect_dma semaphore(%arg13 : memref<!tpu.dma_semaphore, #tpu.memory_space<semaphore_mem>>) src(%dma_wait3A_19 : memref<64000x16xf32, #tpu.memory_space<hbm>>) dst(%arg10 : memref<3200x16xf32, #tpu.memory_space<vmem>>)
    %parallel_loop3A_20 = arith.constant 0 : i32
    %parallel_loop3A_21 = arith.constant 50 : i32
    %parallel_loop3A_22 = arith.constant 1 : i32
    scf.for %parallel_loop3A_31 = %parallel_loop3A_20 to %parallel_loop3A_21 step %parallel_loop3A_22  : i32 {
      %parallel_loop3A_32 = arith.constant 0 : i32
      %parallel_loop3A_33 = arith.addi %parallel_loop3A_32, %parallel_loop3A_31 : i32
      %parallel_loop3A_34 = vector.broadcast %parallel_loop3A_33 : i32 to vector<16xi32>
      %parallel_loop3A_35 = arith.addi %mul3A_7, %parallel_loop3A_34 : vector<16xi32>
      %parallel_loop3A_36 = tpu.vector_load_idx %arg7[%parallel_loop3A_35] : memref<6400xi32, #tpu.memory_space<vmem>>[vector<16xi32>], vector<16xi32>,
      %parallel_loop3A_37 = arith.constant 15 : i32
      %parallel_loop3A_38 = vector.broadcast %parallel_loop3A_37 : i32 to vector<16xi32>
      %parallel_loop3A_39 = arith.andi %parallel_loop3A_36, %parallel_loop3A_38 : vector<16xi32>
      %parallel_loop3A_40 = arith.constant 64 : i32
      %parallel_loop3A_41 = arith.muli %parallel_loop3A_31, %parallel_loop3A_40 : i32
      %parallel_loop3A_42 = arith.constant 0 : i32
      %parallel_loop3A_43 = arith.addi %parallel_loop3A_41, %parallel_loop3A_42 : i32
      %parallel_loop3A_44 = vector.broadcast %parallel_loop3A_43 : i32 to vector<16xi32>
      %parallel_loop3A_45 = arith.addi %iota3A, %parallel_loop3A_44 : vector<16xi32>
      %parallel_loop3A_46 = tpu.vector_load_idx %arg10[%parallel_loop3A_45, %parallel_loop3A_39] : memref<3200x16xf32, #tpu.memory_space<vmem>>[vector<16xi32>, vector<16xi32>], vector<16xf32>,
      %parallel_loop3A_47 = arith.index_cast %parallel_loop3A_31 : i32 to index
      %parallel_loop3A_48 = arith.constant 0 : index
      %parallel_loop3A_49 = tpu.vector_load %arg12[%parallel_loop3A_47, %parallel_loop3A_48] {strides = array<i32>} : memref<50x128xf32, #tpu.memory_space<vmem>>, vector<16xf32>,
      tpu.vector_store %arg12[%parallel_loop3A_47, %parallel_loop3A_48], %parallel_loop3A_46 {strides = array<i32>} : memref<50x128xf32, #tpu.memory_space<vmem>>, vector<16xf32>,
      %parallel_loop3A_50 = arith.constant 800 : i32
      %parallel_loop3A_51 = arith.addi %parallel_loop3A_50, %parallel_loop3A_31 : i32
      %parallel_loop3A_52 = vector.broadcast %parallel_loop3A_51 : i32 to vector<16xi32>
      %parallel_loop3A_53 = arith.addi %mul3A_7, %parallel_loop3A_52 : vector<16xi32>
      %parallel_loop3A_54 = tpu.vector_load_idx %arg7[%parallel_loop3A_53] : memref<6400xi32, #tpu.memory_space<vmem>>[vector<16xi32>], vector<16xi32>,
      %parallel_loop3A_55 = arith.constant 15 : i32
      %parallel_loop3A_56 = vector.broadcast %parallel_loop3A_55 : i32 to vector<16xi32>
      %parallel_loop3A_57 = arith.andi %parallel_loop3A_54, %parallel_loop3A_56 : vector<16xi32>
      %parallel_loop3A_58 = arith.constant 64 : i32
      %parallel_loop3A_59 = arith.muli %parallel_loop3A_31, %parallel_loop3A_58 : i32
      %parallel_loop3A_60 = arith.constant 16 : i32
      %parallel_loop3A_61 = arith.addi %parallel_loop3A_59, %parallel_loop3A_60 : i32
      %parallel_loop3A_62 = vector.broadcast %parallel_loop3A_61 : i32 to vector<16xi32>
      %parallel_loop3A_63 = arith.addi %iota3A, %parallel_loop3A_62 : vector<16xi32>
      %parallel_loop3A_64 = tpu.vector_load_idx %arg10[%parallel_loop3A_63, %parallel_loop3A_57] : memref<3200x16xf32, #tpu.memory_space<vmem>>[vector<16xi32>, vector<16xi32>], vector<16xf32>,
      %parallel_loop3A_65 = arith.index_cast %parallel_loop3A_31 : i32 to index
      %parallel_loop3A_66 = arith.constant 16 : index
      %parallel_loop3A_67 = tpu.vector_load %arg12[%parallel_loop3A_65, %parallel_loop3A_66] {strides = array<i32>} : memref<50x128xf32, #tpu.memory_space<vmem>>, vector<16xf32>,
      tpu.vector_store %arg12[%parallel_loop3A_65, %parallel_loop3A_66], %parallel_loop3A_64 {strides = array<i32>} : memref<50x128xf32, #tpu.memory_space<vmem>>, vector<16xf32>,
      %parallel_loop3A_68 = arith.constant 1600 : i32
      %parallel_loop3A_69 = arith.addi %parallel_loop3A_68, %parallel_loop3A_31 : i32
      %parallel_loop3A_70 = vector.broadcast %parallel_loop3A_69 : i32 to vector<16xi32>
      %parallel_loop3A_71 = arith.addi %mul3A_7, %parallel_loop3A_70 : vector<16xi32>
      %parallel_loop3A_72 = tpu.vector_load_idx %arg7[%parallel_loop3A_71] : memref<6400xi32, #tpu.memory_space<vmem>>[vector<16xi32>], vector<16xi32>,
      %parallel_loop3A_73 = arith.constant 15 : i32
      %parallel_loop3A_74 = vector.broadcast %parallel_loop3A_73 : i32 to vector<16xi32>
      %parallel_loop3A_75 = arith.andi %parallel_loop3A_72, %parallel_loop3A_74 : vector<16xi32>
      %parallel_loop3A_76 = arith.constant 64 : i32
      %parallel_loop3A_77 = arith.muli %parallel_loop3A_31, %parallel_loop3A_76 : i32
      %parallel_loop3A_78 = arith.constant 32 : i32
      %parallel_loop3A_79 = arith.addi %parallel_loop3A_77, %parallel_loop3A_78 : i32
      %parallel_loop3A_80 = vector.broadcast %parallel_loop3A_79 : i32 to vector<16xi32>
      %parallel_loop3A_81 = arith.addi %iota3A, %parallel_loop3A_80 : vector<16xi32>
      %parallel_loop3A_82 = tpu.vector_load_idx %arg10[%parallel_loop3A_81, %parallel_loop3A_75] : memref<3200x16xf32, #tpu.memory_space<vmem>>[vector<16xi32>, vector<16xi32>], vector<16xf32>,
      %parallel_loop3A_83 = arith.index_cast %parallel_loop3A_31 : i32 to index
      %parallel_loop3A_84 = arith.constant 32 : index
      %parallel_loop3A_85 = tpu.vector_load %arg12[%parallel_loop3A_83, %parallel_loop3A_84] {strides = array<i32>} : memref<50x128xf32, #tpu.memory_space<vmem>>, vector<16xf32>,
      tpu.vector_store %arg12[%parallel_loop3A_83, %parallel_loop3A_84], %parallel_loop3A_82 {strides = array<i32>} : memref<50x128xf32, #tpu.memory_space<vmem>>, vector<16xf32>,
      %parallel_loop3A_86 = arith.constant 2400 : i32
      %parallel_loop3A_87 = arith.addi %parallel_loop3A_86, %parallel_loop3A_31 : i32
      %parallel_loop3A_88 = vector.broadcast %parallel_loop3A_87 : i32 to vector<16xi32>
      %parallel_loop3A_89 = arith.addi %mul3A_7, %parallel_loop3A_88 : vector<16xi32>
      %parallel_loop3A_90 = tpu.vector_load_idx %arg7[%parallel_loop3A_89] : memref<6400xi32, #tpu.memory_space<vmem>>[vector<16xi32>], vector<16xi32>,
      %parallel_loop3A_91 = arith.constant 15 : i32
      %parallel_loop3A_92 = vector.broadcast %parallel_loop3A_91 : i32 to vector<16xi32>
      %parallel_loop3A_93 = arith.andi %parallel_loop3A_90, %parallel_loop3A_92 : vector<16xi32>
      %parallel_loop3A_94 = arith.constant 64 : i32
      %parallel_loop3A_95 = arith.muli %parallel_loop3A_31, %parallel_loop3A_94 : i32
      %parallel_loop3A_96 = arith.constant 48 : i32
      %parallel_loop3A_97 = arith.addi %parallel_loop3A_95, %parallel_loop3A_96 : i32
      %parallel_loop3A_98 = vector.broadcast %parallel_loop3A_97 : i32 to vector<16xi32>
      %parallel_loop3A_99 = arith.addi %iota3A, %parallel_loop3A_98 : vector<16xi32>
      %parallel_loop3A_100 = tpu.vector_load_idx %arg10[%parallel_loop3A_99, %parallel_loop3A_93] : memref<3200x16xf32, #tpu.memory_space<vmem>>[vector<16xi32>, vector<16xi32>], vector<16xf32>,
      %parallel_loop3A_101 = arith.index_cast %parallel_loop3A_31 : i32 to index
      %parallel_loop3A_102 = arith.constant 48 : index
      %parallel_loop3A_103 = tpu.vector_load %arg12[%parallel_loop3A_101, %parallel_loop3A_102] {strides = array<i32>} : memref<50x128xf32, #tpu.memory_space<vmem>>, vector<16xf32>,
      tpu.vector_store %arg12[%parallel_loop3A_101, %parallel_loop3A_102], %parallel_loop3A_100 {strides = array<i32>} : memref<50x128xf32, #tpu.memory_space<vmem>>, vector<16xf32>,
    } {sc.loop_unroll_factor = 2 : i64, sc.parallel_access}
    %dma_wait3A_23 = arith.constant 0 : i32
    %dma_wait3A_24 = arith.constant 0 : i32
    %dma_wait3A_25 = tpu.memref_slice %arg2[%dma_wait3A_23, %dma_wait3A_24] : memref<64000x16xf32, #tpu.memory_space<hbm>> -> memref<64000x16xf32, #tpu.memory_space<hbm>>
    tpu.wait_indirect_dma semaphore(%arg14 : memref<!tpu.dma_semaphore, #tpu.memory_space<semaphore_mem>>) src(%dma_wait3A_25 : memref<64000x16xf32, #tpu.memory_space<hbm>>) dst(%arg11 : memref<3200x16xf32, #tpu.memory_space<vmem>>)
    %parallel_loop3A_26 = arith.constant 0 : i32
    %parallel_loop3A_27 = arith.constant 50 : i32
    %parallel_loop3A_28 = arith.constant 1 : i32
    scf.for %parallel_loop3A_31 = %parallel_loop3A_26 to %parallel_loop3A_27 step %parallel_loop3A_28  : i32 {
      %parallel_loop3A_32 = arith.constant 3200 : i32
      %parallel_loop3A_33 = arith.addi %parallel_loop3A_32, %parallel_loop3A_31 : i32
      %parallel_loop3A_34 = vector.broadcast %parallel_loop3A_33 : i32 to vector<16xi32>
      %parallel_loop3A_35 = arith.addi %mul3A_7, %parallel_loop3A_34 : vector<16xi32>
      %parallel_loop3A_36 = tpu.vector_load_idx %arg7[%parallel_loop3A_35] : memref<6400xi32, #tpu.memory_space<vmem>>[vector<16xi32>], vector<16xi32>,
      %parallel_loop3A_37 = arith.constant 15 : i32
      %parallel_loop3A_38 = vector.broadcast %parallel_loop3A_37 : i32 to vector<16xi32>
      %parallel_loop3A_39 = arith.andi %parallel_loop3A_36, %parallel_loop3A_38 : vector<16xi32>
      %parallel_loop3A_40 = arith.constant 64 : i32
      %parallel_loop3A_41 = arith.muli %parallel_loop3A_31, %parallel_loop3A_40 : i32
      %parallel_loop3A_42 = arith.constant 0 : i32
      %parallel_loop3A_43 = arith.addi %parallel_loop3A_41, %parallel_loop3A_42 : i32
      %parallel_loop3A_44 = vector.broadcast %parallel_loop3A_43 : i32 to vector<16xi32>
      %parallel_loop3A_45 = arith.addi %iota3A, %parallel_loop3A_44 : vector<16xi32>
      %parallel_loop3A_46 = tpu.vector_load_idx %arg11[%parallel_loop3A_45, %parallel_loop3A_39] : memref<3200x16xf32, #tpu.memory_space<vmem>>[vector<16xi32>, vector<16xi32>], vector<16xf32>,
      %parallel_loop3A_47 = arith.index_cast %parallel_loop3A_31 : i32 to index
      %parallel_loop3A_48 = arith.constant 64 : index
      %parallel_loop3A_49 = tpu.vector_load %arg12[%parallel_loop3A_47, %parallel_loop3A_48] {strides = array<i32>} : memref<50x128xf32, #tpu.memory_space<vmem>>, vector<16xf32>,
      tpu.vector_store %arg12[%parallel_loop3A_47, %parallel_loop3A_48], %parallel_loop3A_46 {strides = array<i32>} : memref<50x128xf32, #tpu.memory_space<vmem>>, vector<16xf32>,
      %parallel_loop3A_50 = arith.constant 4000 : i32
      %parallel_loop3A_51 = arith.addi %parallel_loop3A_50, %parallel_loop3A_31 : i32
      %parallel_loop3A_52 = vector.broadcast %parallel_loop3A_51 : i32 to vector<16xi32>
      %parallel_loop3A_53 = arith.addi %mul3A_7, %parallel_loop3A_52 : vector<16xi32>
      %parallel_loop3A_54 = tpu.vector_load_idx %arg7[%parallel_loop3A_53] : memref<6400xi32, #tpu.memory_space<vmem>>[vector<16xi32>], vector<16xi32>,
      %parallel_loop3A_55 = arith.constant 15 : i32
      %parallel_loop3A_56 = vector.broadcast %parallel_loop3A_55 : i32 to vector<16xi32>
      %parallel_loop3A_57 = arith.andi %parallel_loop3A_54, %parallel_loop3A_56 : vector<16xi32>
      %parallel_loop3A_58 = arith.constant 64 : i32
      %parallel_loop3A_59 = arith.muli %parallel_loop3A_31, %parallel_loop3A_58 : i32
      %parallel_loop3A_60 = arith.constant 16 : i32
      %parallel_loop3A_61 = arith.addi %parallel_loop3A_59, %parallel_loop3A_60 : i32
      %parallel_loop3A_62 = vector.broadcast %parallel_loop3A_61 : i32 to vector<16xi32>
      %parallel_loop3A_63 = arith.addi %iota3A, %parallel_loop3A_62 : vector<16xi32>
      %parallel_loop3A_64 = tpu.vector_load_idx %arg11[%parallel_loop3A_63, %parallel_loop3A_57] : memref<3200x16xf32, #tpu.memory_space<vmem>>[vector<16xi32>, vector<16xi32>], vector<16xf32>,
      %parallel_loop3A_65 = arith.index_cast %parallel_loop3A_31 : i32 to index
      %parallel_loop3A_66 = arith.constant 80 : index
      %parallel_loop3A_67 = tpu.vector_load %arg12[%parallel_loop3A_65, %parallel_loop3A_66] {strides = array<i32>} : memref<50x128xf32, #tpu.memory_space<vmem>>, vector<16xf32>,
      tpu.vector_store %arg12[%parallel_loop3A_65, %parallel_loop3A_66], %parallel_loop3A_64 {strides = array<i32>} : memref<50x128xf32, #tpu.memory_space<vmem>>, vector<16xf32>,
      %parallel_loop3A_68 = arith.constant 4800 : i32
      %parallel_loop3A_69 = arith.addi %parallel_loop3A_68, %parallel_loop3A_31 : i32
      %parallel_loop3A_70 = vector.broadcast %parallel_loop3A_69 : i32 to vector<16xi32>
      %parallel_loop3A_71 = arith.addi %mul3A_7, %parallel_loop3A_70 : vector<16xi32>
      %parallel_loop3A_72 = tpu.vector_load_idx %arg7[%parallel_loop3A_71] : memref<6400xi32, #tpu.memory_space<vmem>>[vector<16xi32>], vector<16xi32>,
      %parallel_loop3A_73 = arith.constant 15 : i32
      %parallel_loop3A_74 = vector.broadcast %parallel_loop3A_73 : i32 to vector<16xi32>
      %parallel_loop3A_75 = arith.andi %parallel_loop3A_72, %parallel_loop3A_74 : vector<16xi32>
      %parallel_loop3A_76 = arith.constant 64 : i32
      %parallel_loop3A_77 = arith.muli %parallel_loop3A_31, %parallel_loop3A_76 : i32
      %parallel_loop3A_78 = arith.constant 32 : i32
      %parallel_loop3A_79 = arith.addi %parallel_loop3A_77, %parallel_loop3A_78 : i32
      %parallel_loop3A_80 = vector.broadcast %parallel_loop3A_79 : i32 to vector<16xi32>
      %parallel_loop3A_81 = arith.addi %iota3A, %parallel_loop3A_80 : vector<16xi32>
      %parallel_loop3A_82 = tpu.vector_load_idx %arg11[%parallel_loop3A_81, %parallel_loop3A_75] : memref<3200x16xf32, #tpu.memory_space<vmem>>[vector<16xi32>, vector<16xi32>], vector<16xf32>,
      %parallel_loop3A_83 = arith.index_cast %parallel_loop3A_31 : i32 to index
      %parallel_loop3A_84 = arith.constant 96 : index
      %parallel_loop3A_85 = tpu.vector_load %arg12[%parallel_loop3A_83, %parallel_loop3A_84] {strides = array<i32>} : memref<50x128xf32, #tpu.memory_space<vmem>>, vector<16xf32>,
      tpu.vector_store %arg12[%parallel_loop3A_83, %parallel_loop3A_84], %parallel_loop3A_82 {strides = array<i32>} : memref<50x128xf32, #tpu.memory_space<vmem>>, vector<16xf32>,
      %parallel_loop3A_86 = arith.constant 5600 : i32
      %parallel_loop3A_87 = arith.addi %parallel_loop3A_86, %parallel_loop3A_31 : i32
      %parallel_loop3A_88 = vector.broadcast %parallel_loop3A_87 : i32 to vector<16xi32>
      %parallel_loop3A_89 = arith.addi %mul3A_7, %parallel_loop3A_88 : vector<16xi32>
      %parallel_loop3A_90 = tpu.vector_load_idx %arg7[%parallel_loop3A_89] : memref<6400xi32, #tpu.memory_space<vmem>>[vector<16xi32>], vector<16xi32>,
      %parallel_loop3A_91 = arith.constant 15 : i32
      %parallel_loop3A_92 = vector.broadcast %parallel_loop3A_91 : i32 to vector<16xi32>
      %parallel_loop3A_93 = arith.andi %parallel_loop3A_90, %parallel_loop3A_92 : vector<16xi32>
      %parallel_loop3A_94 = arith.constant 64 : i32
      %parallel_loop3A_95 = arith.muli %parallel_loop3A_31, %parallel_loop3A_94 : i32
      %parallel_loop3A_96 = arith.constant 48 : i32
      %parallel_loop3A_97 = arith.addi %parallel_loop3A_95, %parallel_loop3A_96 : i32
      %parallel_loop3A_98 = vector.broadcast %parallel_loop3A_97 : i32 to vector<16xi32>
      %parallel_loop3A_99 = arith.addi %iota3A, %parallel_loop3A_98 : vector<16xi32>
      %parallel_loop3A_100 = tpu.vector_load_idx %arg11[%parallel_loop3A_99, %parallel_loop3A_93] : memref<3200x16xf32, #tpu.memory_space<vmem>>[vector<16xi32>, vector<16xi32>], vector<16xf32>,
      %parallel_loop3A_101 = arith.index_cast %parallel_loop3A_31 : i32 to index
      %parallel_loop3A_102 = arith.constant 112 : index
      %parallel_loop3A_103 = tpu.vector_load %arg12[%parallel_loop3A_101, %parallel_loop3A_102] {strides = array<i32>} : memref<50x128xf32, #tpu.memory_space<vmem>>, vector<16xf32>,
      tpu.vector_store %arg12[%parallel_loop3A_101, %parallel_loop3A_102], %parallel_loop3A_100 {strides = array<i32>} : memref<50x128xf32, #tpu.memory_space<vmem>>, vector<16xf32>,
    } {sc.loop_unroll_factor = 2 : i64, sc.parallel_access}
    %mul3A_29 = arith.constant 128 : i32
    %mul3A_30 = arith.muli %add3A, %mul3A_29 : i32
    "tpu.region"() ({
      %run_scoped3A = tpu.sem_alloc : memref<!tpu.dma_semaphore, #tpu.memory_space<semaphore_mem>>
      %dma_start3A_31 = arith.constant 0 : i32
      %dma_start3A_32 = tpu.memref_slice %arg5[%dma_start3A_31, %mul3A_30] : memref<50x4096xf32, #tpu.memory_space<hbm>> -> memref<50x128xf32, #tpu.memory_space<hbm>>
      %dma_start3A_33 = arith.constant 0 : i32
      %dma_start3A_34 = tpu.memref_slice %arg5[%dma_start3A_33, %mul3A_30] : memref<50x4096xf32, #tpu.memory_space<hbm>> -> memref<50x128xf32, #tpu.memory_space<hbm>>
      tpu.enqueue_dma source(%arg12 : memref<50x128xf32, #tpu.memory_space<vmem>>) target(%dma_start3A_34 : memref<50x128xf32, #tpu.memory_space<hbm>>) target_semaphore(%run_scoped3A : memref<!tpu.dma_semaphore, #tpu.memory_space<semaphore_mem>>)
      %dma_wait3A_35 = arith.constant 0 : i32
      %dma_wait3A_36 = tpu.memref_slice %arg5[%dma_wait3A_35, %mul3A_30] : memref<50x4096xf32, #tpu.memory_space<hbm>> -> memref<50x128xf32, #tpu.memory_space<hbm>>
      %dma_wait3A_37 = arith.constant 0 : i32
      %dma_wait3A_38 = tpu.memref_slice %arg5[%dma_wait3A_37, %mul3A_30] : memref<50x4096xf32, #tpu.memory_space<hbm>> -> memref<50x128xf32, #tpu.memory_space<hbm>>
      tpu.wait_dma2 semaphore(%run_scoped3A : memref<!tpu.dma_semaphore, #tpu.memory_space<semaphore_mem>>) src(%arg12 : memref<50x128xf32, #tpu.memory_space<vmem>>) dst(%dma_wait3A_38 : memref<50x128xf32, #tpu.memory_space<hbm>>)
      tpu.yield
    }) : () -> ()
    return
  }
}

module attributes {stable_mosaic.version = 14 : i64} {
  func.func @_tc_body(%arg0: memref<300x1000xf32, #tpu.memory_space<vmem>>, %arg1: memref<300x1000xf32, #tpu.memory_space<vmem>>, %arg2: memref<8000x128xf32, #tpu.memory_space<vmem>>) attributes {dimension_semantics = [], scalar_prefetch = 0 : i64, scratch_operands = 0 : i64, tpu.core_type = #tpu.core_type<tc>} {
    %get3A = arith.constant 0 : index
    %get3A_0 = arith.constant 0 : index
    %get3A_1 = vector.load %arg0[%get3A, %get3A_0] : memref<300x1000xf32, #tpu.memory_space<vmem>>, vector<300x1000xf32>
    %transpose3A = tpu.transpose %get3A_1, [1, 0] : vector<300x1000xf32> -> vector<1000x300xf32>
    %get3A_2 = arith.constant 0 : index
    %get3A_3 = arith.constant 0 : index
    %get3A_4 = vector.load %arg1[%get3A_2, %get3A_3] : memref<300x1000xf32, #tpu.memory_space<vmem>>, vector<300x1000xf32>
    %jit3A = arith.constant 0 : i32
    %convert_element_type3A = arith.sitofp %jit3A : i32 to f32
    %pad3A = vector.broadcast %convert_element_type3A : f32 to vector<300x24xf32>
    %pad3A_5 = tpu.concatenate %get3A_4, %pad3A in 1 : vector<300x1000xf32>, vector<300x24xf32> -> vector<300x1024xf32>
    %dot_general3A = arith.constant dense<0.000000e+00> : vector<1000x1024xf32>
    %dot_general3A_6 = tpu.matmul %transpose3A, %pad3A_5, %dot_general3A {dimension_numbers = #tpu.dot_dimension_numbers<[1], [0], [0], [1], [0, 0, 1, 1], [], []>, transpose_lhs_hint = false} : vector<1000x300xf32>, vector<300x1024xf32>, vector<1000x1024xf32> -> vector<1000x1024xf32>
    %slice3A = vector.extract_strided_slice %dot_general3A_6 {offsets = [0, 0], sizes = [1000, 128], strides = [1, 1]} : vector<1000x1024xf32> to vector<1000x128xf32>
    %swap3A = arith.constant 0 : index
    %swap3A_7 = arith.constant 0 : index
    %swap3A_8 = vector.load %arg2[%swap3A, %swap3A_7] : memref<8000x128xf32, #tpu.memory_space<vmem>>, vector<1000x128xf32>
    tpu.vector_store %arg2[%swap3A, %swap3A_7], %slice3A {strides = array<i32>} : memref<8000x128xf32, #tpu.memory_space<vmem>>, vector<1000x128xf32>,
    %slice3A_9 = vector.extract_strided_slice %dot_general3A_6 {offsets = [0, 128], sizes = [1000, 128], strides = [1, 1]} : vector<1000x1024xf32> to vector<1000x128xf32>
    %swap3A_10 = arith.constant 1000 : index
    %swap3A_11 = arith.constant 0 : index
    %swap3A_12 = vector.load %arg2[%swap3A_10, %swap3A_11] : memref<8000x128xf32, #tpu.memory_space<vmem>>, vector<1000x128xf32>
    tpu.vector_store %arg2[%swap3A_10, %swap3A_11], %slice3A_9 {strides = array<i32>} : memref<8000x128xf32, #tpu.memory_space<vmem>>, vector<1000x128xf32>,
    %slice3A_13 = vector.extract_strided_slice %dot_general3A_6 {offsets = [0, 256], sizes = [1000, 128], strides = [1, 1]} : vector<1000x1024xf32> to vector<1000x128xf32>
    %swap3A_14 = arith.constant 2000 : index
    %swap3A_15 = arith.constant 0 : index
    %swap3A_16 = vector.load %arg2[%swap3A_14, %swap3A_15] : memref<8000x128xf32, #tpu.memory_space<vmem>>, vector<1000x128xf32>
    tpu.vector_store %arg2[%swap3A_14, %swap3A_15], %slice3A_13 {strides = array<i32>} : memref<8000x128xf32, #tpu.memory_space<vmem>>, vector<1000x128xf32>,
    %slice3A_17 = vector.extract_strided_slice %dot_general3A_6 {offsets = [0, 384], sizes = [1000, 128], strides = [1, 1]} : vector<1000x1024xf32> to vector<1000x128xf32>
    %swap3A_18 = arith.constant 3000 : index
    %swap3A_19 = arith.constant 0 : index
    %swap3A_20 = vector.load %arg2[%swap3A_18, %swap3A_19] : memref<8000x128xf32, #tpu.memory_space<vmem>>, vector<1000x128xf32>
    tpu.vector_store %arg2[%swap3A_18, %swap3A_19], %slice3A_17 {strides = array<i32>} : memref<8000x128xf32, #tpu.memory_space<vmem>>, vector<1000x128xf32>,
    %slice3A_21 = vector.extract_strided_slice %dot_general3A_6 {offsets = [0, 512], sizes = [1000, 128], strides = [1, 1]} : vector<1000x1024xf32> to vector<1000x128xf32>
    %swap3A_22 = arith.constant 4000 : index
    %swap3A_23 = arith.constant 0 : index
    %swap3A_24 = vector.load %arg2[%swap3A_22, %swap3A_23] : memref<8000x128xf32, #tpu.memory_space<vmem>>, vector<1000x128xf32>
    tpu.vector_store %arg2[%swap3A_22, %swap3A_23], %slice3A_21 {strides = array<i32>} : memref<8000x128xf32, #tpu.memory_space<vmem>>, vector<1000x128xf32>,
    %slice3A_25 = vector.extract_strided_slice %dot_general3A_6 {offsets = [0, 640], sizes = [1000, 128], strides = [1, 1]} : vector<1000x1024xf32> to vector<1000x128xf32>
    %swap3A_26 = arith.constant 5000 : index
    %swap3A_27 = arith.constant 0 : index
    %swap3A_28 = vector.load %arg2[%swap3A_26, %swap3A_27] : memref<8000x128xf32, #tpu.memory_space<vmem>>, vector<1000x128xf32>
    tpu.vector_store %arg2[%swap3A_26, %swap3A_27], %slice3A_25 {strides = array<i32>} : memref<8000x128xf32, #tpu.memory_space<vmem>>, vector<1000x128xf32>,
    %slice3A_29 = vector.extract_strided_slice %dot_general3A_6 {offsets = [0, 768], sizes = [1000, 128], strides = [1, 1]} : vector<1000x1024xf32> to vector<1000x128xf32>
    %swap3A_30 = arith.constant 6000 : index
    %swap3A_31 = arith.constant 0 : index
    %swap3A_32 = vector.load %arg2[%swap3A_30, %swap3A_31] : memref<8000x128xf32, #tpu.memory_space<vmem>>, vector<1000x128xf32>
    tpu.vector_store %arg2[%swap3A_30, %swap3A_31], %slice3A_29 {strides = array<i32>} : memref<8000x128xf32, #tpu.memory_space<vmem>>, vector<1000x128xf32>,
    %slice3A_33 = vector.extract_strided_slice %dot_general3A_6 {offsets = [0, 896], sizes = [1000, 128], strides = [1, 1]} : vector<1000x1024xf32> to vector<1000x128xf32>
    %swap3A_34 = arith.constant 7000 : index
    %swap3A_35 = arith.constant 0 : index
    %swap3A_36 = vector.load %arg2[%swap3A_34, %swap3A_35] : memref<8000x128xf32, #tpu.memory_space<vmem>>, vector<1000x128xf32>
    tpu.vector_store %arg2[%swap3A_34, %swap3A_35], %slice3A_33 {strides = array<i32>} : memref<8000x128xf32, #tpu.memory_space<vmem>>, vector<1000x128xf32>,
    return
  }
}

</mosaic_0001>

<sc_bundles>
// kernel: kernel.4.cloned.1.call-start
scs
__scs_entry_jumppad:
0x0: {  	(pc) =	sbr.rel $0x88, $3  }
0x1: {  	(tag) =	ssettag $0x0;
	lr =	simm.s32 $0x1  }
0x2: {  	[smem:$0x3F9D] =	sst lr;
	_ =	strace $0xD0000000  }
0x3: {  	_ = 	snop  }
0x4: {  	_ = 	snop  }
0x5: {  	_ = 	snop  }
0x6: {  	_ = 	snop  }
0x7: {  	_ = 	snop  }
__scs_overlays_trampoline_lowered:
0x8: {  	[smem:$0x3FAC] =	sst s0  }
0x9: {  	[smem:$0x3FAD] =	sst s1  }
0xa: {  	[smem:$0x3FAE] =	sst s2  }
0xb: {  	[smem:$0x3FAF] =	sst s3  }
0xc: {  	[smem:$0x3FB0] =	sst s4  }
0xd: {  	[smem:$0x3FB1] =	sst s5  }
0xe: {  	[smem:$0x3FB2] =	sst s6  }
0xf: {  	[smem:$0x3FB3] =	sst s7  }
0x10: {  	[smem:$0x3FB4] =	sst s8  }
0x11: {  	[smem:$0x3FB5] =	sst s9;
	s0 =	simm.s32 @!p0 $0x0  }
0x12: {  	s1 =	sld [smem:$0x3F9B];
	s0 =	simm.s32 @p0 $0x1  }
0x13: {  	[smem:$0x3FB6] =	sst s0;
	s0 =	simm.s32 @!p1 $0x0  }
0x14: {  	s2 =	sld [smem:$0x3F9A];
	s0 =	simm.s32 @p1 $0x1  }
0x15: {  	[smem:$0x3FB7] =	sst s0;
	s0 =	simm.s32 @!p2 $0x0  }
0x16: {  	s3 =	sld [smem:$0x3FDB];
	s0 =	simm.s32 @p2 $0x1  }
0x17: {  	s4 =	simm.s32 $0x1BF5;
	[smem:$0x3FB9] =	sst s0  }
0x18: {  	s0 =	sld [smem:$0x3F9C];
	_ =	swait.ge [sflag:s4], $0x0  }
0x19: {  	s7 =	sld [smem:$0x3F9D]  }
0x1a: {  	s8 =	sadd.s32 $0xFFFFE003, lr  }
0x1b: {  	s9 =	sadd.s32 $0xFFFFFEF7, lr;
	s5 =	simm.s32 $0xFFFFFFFF;
	p2 =	slt.u32 s8, $0xFFFFF086  }
0x1c: {  	p1 =	slt.u32 s9, $0xF7A;
	s5 =	simm.s32 @!p2 $0x0  }
0x1d: {  	s5 =	simm.s32 @p1 $0x1;
	p0 =	seq.s32 s7, s2  }
0x1e: {  	s7 =	smul.u32 @!p0 $0xF7A, s2;
	p2 =	seq.s32 @!p0 s5, $0x0  }
0x1f: {  	s9 =	smul.u32 $0xF7A, s1;
	s8 =	simm.s32 @!p0 $0x1BF5;
	p2 =	por !p2, p0  }
0x20: {  	[sflag:s8] =	ssyncset.s32 @!p0 $0xFFFFF086;
	s6 =	sadd.s32 @!p0 s3, s7;
	s7 =	simm.s32 @!p0 $0x108  }
0x21: {  	s3 =	sadd.s32 s3, s9;
	s6 =	sadd.s32 @!p0 $0x88, s6;
	s7 =	simm.s32 @p2 $0x1082  }
0x22: {  	[simem:s7], [sflag:s8] =	dma.local @!p0 [hbm:s6], $0xF7A  }
0x23: {  	s9 =	sor.u32 $0xD0000000, s2;
	s6 =	simm.s32 $0x108;
	_ =	swait.ge @!p0 [sflag:s8], $0x0  }
0x24: {  	s3 =	sadd.s32 $0x88, s3;
	s6 =	simm.s32 @!p1 $0x1082;
	[sflag:s4] =	ssyncset.s32 $0xFFFFF086  }
0x25: {  	[simem:s6], [sflag:s4] =	dma.local [hbm:s3], $0xF7A  }
0x26: {  	[smem:$0x3F9D] =	sst s1;
	(tag) =	ssettag s2;
	_ =	strace s9  }
0x27: {  	s1 =	sld [smem:$0x3FAD]  }
0x28: {  	s2 =	sld [smem:$0x3FAE]  }
0x29: {  	s4 =	sld [smem:$0x3FB0]  }
0x2a: {  	p0 =	seq.s32 s5, $0x0;
	s5 =	sld [smem:$0x3FB1]  }
0x2b: {  	s6 =	sld [smem:$0x3FB2]  }
0x2c: {  	s7 =	sld [smem:$0x3FB3]  }
0x2d: {  	s3 =	simm.s32 $0x108;
	s8 =	sld [smem:$0x3FB4]  }
0x2e: {  	s3 =	simm.s32 @!p0 $0x1082;
	s9 =	sld [smem:$0x3FB5]  }
0x2f: {  	lr =	sadd.s32 s0, s3;
	s0 =	sld [smem:$0x3FAC]  }
0x30: {  	s3 =	sld [smem:$0x3FAF]  }
0x31: {  	[smem:$0x3FB8] =	sst s10  }
0x32: {  	s10 =	sld [smem:$0x3FB6];
	_ =	sdelay $0x3  }
0x33: {  	p0 =	seq.s32 s10, $0x1;
	s10 =	sld [smem:$0x3FB8];
	_ =	sdelay $0x3  }
0x34: {  	[smem:$0x3FB8] =	sst s10  }
0x35: {  	s10 =	sld [smem:$0x3FB7];
	_ =	sdelay $0x3  }
0x36: {  	p1 =	seq.s32 s10, $0x1;
	s10 =	sld [smem:$0x3FB8];
	_ =	sdelay $0x3  }
0x37: {  	[smem:$0x3FB8] =	sst s10  }
0x38: {  	s10 =	sld [smem:$0x3FB9]  }
0x39: {  	_ = 	snop;
	(pc) =	sbr.ind lr, $3  }
0x3a: {  	_ = 	snop  }
0x3b: {  	_ = 	snop  }
0x3c: {  	p2 =	seq.s32 s10, $0x1;
	s10 =	sld [smem:$0x3FB8]  }
0x3d: {  	_ =	shalt  }
0x3e: {  	_ =	shalt  }
0x3f: {  	_ =	shalt  }
0x40: {  	_ =	shalt  }
0x41: {  	_ =	shalt  }
0x42: {  	_ =	shalt  }
0x43: {  	_ =	shalt  }
0x44: {  	_ =	shalt  }
0x45: {  	_ =	shalt  }
0x46: {  	_ =	shalt  }
0x47: {  	_ =	shalt  }
0x48: {  	_ =	shalt  }
0x49: {  	_ =	shalt  }
0x4a: {  	_ =	shalt  }
0x4b: {  	_ =	shalt  }
0x4c: {  	_ =	shalt  }
0x4d: {  	_ =	shalt  }
0x4e: {  	_ =	shalt  }
0x4f: {  	_ =	shalt  }
0x50: {  	_ =	shalt  }
0x51: {  	_ =	shalt  }
0x52: {  	_ =	shalt  }
0x53: {  	_ =	shalt  }
0x54: {  	_ =	shalt  }
0x55: {  	_ =	shalt  }
0x56: {  	_ =	shalt  }
0x57: {  	_ =	shalt  }
0x58: {  	_ =	shalt  }
0x59: {  	_ =	shalt  }
0x5a: {  	_ =	shalt  }
0x5b: {  	_ =	shalt  }
0x5c: {  	_ =	shalt  }
0x5d: {  	_ =	shalt  }
0x5e: {  	_ =	shalt  }
0x5f: {  	_ =	shalt  }
0x60: {  	_ =	shalt  }
0x61: {  	_ =	shalt  }
0x62: {  	_ =	shalt  }
0x63: {  	_ =	shalt  }
0x64: {  	_ =	shalt  }
0x65: {  	_ =	shalt  }
0x66: {  	_ =	shalt  }
0x67: {  	_ =	shalt  }
0x68: {  	_ =	shalt  }
0x69: {  	_ =	shalt  }
0x6a: {  	_ =	shalt  }
0x6b: {  	_ =	shalt  }
0x6c: {  	_ =	shalt  }
0x6d: {  	_ =	shalt  }
0x6e: {  	_ =	shalt  }
0x6f: {  	_ =	shalt  }
0x70: {  	_ =	shalt  }
0x71: {  	_ =	shalt  }
0x72: {  	_ =	shalt  }
0x73: {  	_ =	shalt  }
0x74: {  	_ =	shalt  }
0x75: {  	_ =	shalt  }
0x76: {  	_ =	shalt  }
0x77: {  	_ =	shalt  }
0x78: {  	_ =	shalt  }
0x79: {  	_ =	shalt  }
0x7a: {  	_ =	shalt  }
0x7b: {  	_ =	shalt  }
0x7c: {  	_ =	shalt  }
0x7d: {  	_ =	shalt  }
0x7e: {  	_ =	shalt  }
0x7f: {  	_ =	shalt  }
0x80: {  	_ =	shalt  }
0x81: {  	_ =	shalt  }
0x82: {  	_ =	shalt  }
0x83: {  	_ =	shalt  }
0x84: {  	_ =	shalt  }
0x85: {  	_ =	shalt  }
0x86: {  	_ =	shalt  }
0x87: {  	_ =	shalt  }
.Lfunc_end0:
.L_simem_size_0:
called_computation_lowered:
.L_overlay_start_0:
0x88: {  	s2 =	sld [smem:$0x3FD9]  }
0x89: {  	s3 =	sld [smem:$0x3FFE];
	_ =	sdelay $0x1  }
0x8a: {  	s1 =	srdreg.scid  }
0x8b: {  	s0 =	sand.u32 $0x1, s1  }
0x8c: {  	s17 =	sshll.u32 s0, $0xA;
	s2 =	sadd.s32 s3, s2  }
0x8d: {  	s2 =	sadd.s32 s2, s17  }
0x8e: {  	[smem:$0x3FC4] =	sst s2  }
0x8f: {  	_ = 	snop  }
0x90: {  	s2 =	sld [smem:$0x3FC9]  }
0x91: {  	s18 =	sld [smem:$0x3FD0];
	(tm) =	ssettm $0x1  }
0x92: {  	s4 =	sld [smem:$0x3FFB];
	_ =	sdelay $0x3  }
0x93: {  	_ =	strace s4  }
0x94: {  	s4 =	sld [smem:$0x3FFC];
	_ =	sdelay $0x3  }
0x95: {  	_ =	strace s4  }
0x96: {  	s4 =	sld [smem:$0x3FFD];
	_ =	sdelay $0x3  }
0x97: {  	_ =	strace s4  }
0x98: {  	_ =	strace $0x8FFFFFFF  }
0x99: {  	s19 =	sld [smem:$0x3FDB];
	_ =	sdelay $0x1  }
0x9a: {  	s5 =	simm.s32 $_scs_section_size  }
0x9b: {  	s6 =	simm.s32 $_size__tile_overlayer_lowered;
	s7 =	simm.s32 $_tile_overlayer_lowered  }
0x9c: {  	s22 =	simm.s32 $0x1BFF;
	s21 =	sshll.u32 s7, $0x1;
	s4 =	sadd.s32 s5, s19  }
0x9d: {  	s8 =	simm.s32 $0x0;
	s20 =	sshll.u32 s6, $0x1;
	s6 =	sadd.s32 s21, s4  }
0x9e: {  	[timem:s8], [sflag:s22] =	dma.local [hbm:s6], s20  }
0x9f: {  	_ =	swait.ge [sflag:s22], s20  }
0xa0: {  	s5 =	ssub.s32 $0x0, s20;
	[sflag:s22] =	ssyncset.done $0x0  }
0xa1: {  	[sflag:s22] =	ssyncadd.s32 s5;
	_ =	sdelay $0x1  }
0xa2: {  	s23 =	simm.s32 $0x1B8B  }
0xa3: {  	_ =	swait.ge [sflag:s23], $0x1  }
0xa4: {  	[sflag:s23] =	ssyncset.done $0x0  }
0xa5: {  	s25 =	simm.s32 $0x1B8E;
	s24 =	sld [smem:$0x3FFE];
	[sflag:s23] =	ssyncadd.s32 $0xFFFFFFFF  }
0xa6: {  	s26 =	simm.s32 $execute0_lowered;
	[smem:$0x3FD2] =	sst s25  }
0xa7: {  	s6 =	sshll.u32 s26, $0x1;
	_ =	strace $0x80000046;
	[dreg:$0x1] =	wrdreg $0xFFFFFFFF  }
0xa8: {  	s28 =	simm.s32 $_size_execute0_lowered;
	s4 =	sadd.s32 s4, s6;
	[dreg:$0x0] =	wrdreg $0x0  }
0xa9: {  	s6 =	sshll.u32 s28, $0x1;
	[dreg:$0x2] =	wrdreg s4  }
0xaa: {  	[dreg:$0x3] =	wrdreg s6  }
0xab: {  	[dreg:$0x4] =	wrdreg $0xC0  }
0xac: {  	_ =	task [dreg:s8], $0x5FFFF  }
0xad: {  	[dreg:$0x1] =	wrdreg $0xFFFFFFFF  }
0xae: {  	[dreg:$0x0] =	wrdreg $0x60  }
0xaf: {  	[dreg:$0x2] =	wrdreg s24  }
0xb0: {  	[dreg:$0x3] =	wrdreg s2  }
0xb1: {  	[dreg:$0x4] =	wrdreg s18  }
0xb2: {  	[dreg:$0x5] =	wrdreg $0x9  }
0xb3: {  	_ =	task.clear_ibuf [dreg:s8], $0x6FFFF;
	_ =	strace $0x90000046  }
0xb4: {  	s29 =	simm.s32 $0x9;
	_ =	strace $0x80000048  }
0xb5: {  	_ =	swait.ge [sflag:s29], $0x1  }
0xb6: {  	[sflag:s29] =	ssyncadd.s32 $0xFFFFFFFF  }
0xb7: {  	_ =	strace $0x90000048  }
0xb8: {  	_ =	sfence  }
0xb9: {  	s30 =	sld [smem:$0x0];
	_ =	sdelay $0x2  }
0xba: {  	s31 =	sshll.u32 s1, $0xD;
	s1 =	sshrl.u32 s1, $0x2  }
0xbb: {  	s3 =	sand.u32 $0x4000, s31;
	s1 =	sadd.s32 s1, s30  }
0xbc: {  	s0 =	sor.u32 s3, s0;
	s1 =	sshll.u32 s1, $0x11  }
0xbd: {  	s0 =	sor.u32 s1, s0  }
0xbe: {  	s0 =	sadd.s32 $0x8F2B, s0  }
0xbf: {  	[sflag:s0] =	ssyncadd.remote.s32 $0x1  }
0xc0: {  	_ =	sfence.sel $0xFFFF  }
0xc1: {  	[dreg:$0x0] =	wrdreg $0xFFFFFFFF;
	(pc) =	sbr.abs _section_cstart, $3  }
0xc2: {  	[dreg:$0x1] =	wrdreg $0xFFFFFFFF  }
0xc3: {  	_ =	task.clear_ibuf [dreg:s8], $0x2FFFF;
	_ =	strace $0x9FFFFFFF  }
0xc4: {  	(tm) =	ssettm $0x7FFFFFFF  }
0xc5: {  	_ =	shalt  }
tec
execute0_lowered:
.L_overlay_start_1:
0x0: {  	(tag) =	ssettag $0x1  }
0x1: {  	s0 =	rddreg [dreg:$0x0]  }
0x2: {  	s1 =	rddreg [dreg:$0x1]  }
0x3: {  	s5 =	rddreg [dreg:$0x2]  }
0x4: {  	s2 =	simm.s32 $0x0;
	s3 =	srdreg.scid;
	s6 =	stileid.u32  }
0x5: {  	s9 =	simm.s32 $0x80;
	s10 =	simm.s32 $0xC80;
	s12 =	simm.s32 $0x3280  }
0x6: {  	s14 =	simm.s32 $0xFA80;
	s15 =	simm.s32 $0x1;
	s16 =	simm.s32 $0x2  }
0x7: {  	s19 =	simm.s32 $0x0;
	s4 =	sand.u32 $0x1, s3;
	s6 =	sshll.u32 s6, $0x1  }
0x8: {  	[smem:$0x7FF] =	sst s2;
	s3 =	sadd.s32 $0xA00, s0;
	s6 =	sor.u32 s4, s6  }
0x9: {  	s4 =	ssub.s32 $0x2, s4;
	s7 =	sshll.u32 s6, $0x4;
	s6 =	smul.u32 $0x320, s6  }
0xa: {  	v1 =	vlaneseq.u32;
	_ =	strace $0x80000047;
	s8 =	sshrl.u32 s4, $0x1;
	s0 =	sadd.s32 s7, s0  }
0xb: {  	v0 =	vmul.u32 $0x32, v1;
	v1 =	vmul.u32 $0x10, v1;
	s8 =	ssub.s32 s4, s8;
	s4 =	sadd.s32 s1, s7;
	s5 =	sadd.s32 s5, s6  }
0xc: {  	s6 =	sadd.s32 $0x1FE00, s0;
	s7 =	smax.u32 s8, $0x1;
	s8 =	simm.s32 $0x3  }
.LBB2_1:
0xd: {  	[tilespmem:s2], [sflag:$0x3] =	stream.linear.gather [hbm4b:s4+s2], $0x80, $0x38;
	[tilespmem:$0x1DB80] =	vst v63  }
0xe: {  	_ =	swait.ge [sflag:s8], $0x80  }
0xf: {  	s0 =	simm.s32 $0x1;
	[sflag:s8] =	ssyncset.done $0x0  }
0x10: {  	v2 =	vadd.s32 s0, v0;
	[sflag:s8] =	ssyncadd.s32 $0xFFFFFF80  }
0x11: {  	[tilespmem:s9], [sflag:$0x3] =	stream.linear.gather [hbm4b:s5+s2], $0x1900, $0x38;
	[tilespmem:$0x1DB80] =	vst v63  }
0x12: {  	v3 =	vadd.s32 s2, v0;
	_ =	swait.ge [sflag:s8], $0x1900  }
0x13: {  	[sflag:s8] =	ssyncset.done $0x0  }
0x14: {  	[sflag:s8] =	ssyncadd.s32 $0xFFFFE700  }
0x15: {  	v2 =	vld.idx.msk [tilespmem:v2+s9+$0x0], $0xffff;
	_ =	sdelay $0x1  }
0x16: {  	v3 =	vld.idx.msk [tilespmem:v3+s9+$0x0], $0xffff  }
0x17: {  	v4 =	vld [tilespmem:$0x0];
	_ =	sdelay $0x1  }
0x18: {  	v5 =	vshrl.u32 v2, $0x7  }
0x19: {  	s1 =	simm.s32 $0x321;
	v5 =	vmul.u32 $0x3E8, v5  }
0x1a: {  	v8 =	vadd.s32 s1, v0;
	v6 =	vshrl.u32 v3, $0x7  }
0x1b: {  	s31 =	simm.s32 $0x320;
	v2 =	vshrl.u32 v2, $0x4;
	v6 =	vmul.u32 $0x3E8, v6;
	v5 =	vadd.s32 v4, v5  }
0x1c: {  	v7 =	vadd.s32 s31, v0;
	v2 =	vand.u32 $0x7, v2;
	v5 =	vshll.u32 v5, $0x3  }
0x1d: {  	s20 =	simm.s32 $0x19C0;
	v3 =	vshrl.u32 v3, $0x4;
	v4 =	vadd.s32 v4, v6;
	v2 =	vor.u32 v2, v5  }
0x1e: {  	v3 =	vand.u32 $0x7, v3;
	v4 =	vshll.u32 v4, $0x3;
	[tilespmem:s20+$0x0] =	vst v2  }
0x1f: {  	v3 =	vor.u32 v3, v4;
	v2 =	vld.idx.msk [tilespmem:v8+s9+$0x0], $0xffff  }
0x20: {  	s1 =	simm.s32 $0x3;
	[tilespmem:s20+$0xFFFFFFC0] =	vst v3  }
0x21: {  	s11 =	simm.s32 $0x2;
	v4 =	vadd.s32 s1, v0;
	v3 =	vld.idx.msk [tilespmem:v7+s9+$0x0], $0xffff  }
0x22: {  	v5 =	vadd.s32 s11, v0;
	v6 =	vld [tilespmem:$0x10];
	_ =	sdelay $0x1  }
0x23: {  	v7 =	vld [tilespmem:$0x10];
	v8 =	vshrl.u32 v2, $0x7  }
0x24: {  	s17 =	simm.s32 $0x641;
	v8 =	vmul.u32 $0x3E8, v8  }
0x25: {  	v11 =	vadd.s32 s17, v0;
	v4 =	vld.idx.msk [tilespmem:v4+s9+$0x0], $0xffff;
	v9 =	vshrl.u32 v3, $0x7  }
0x26: {  	s13 =	simm.s32 $0x640;
	v5 =	vld.idx.msk [tilespmem:v5+s9+$0x0], $0xffff;
	v2 =	vshrl.u32 v2, $0x4;
	v9 =	vmul.u32 $0x3E8, v9;
	v6 =	vadd.s32 v6, v8  }
0x27: {  	v10 =	vadd.s32 s13, v0;
	v2 =	vand.u32 $0x7, v2;
	v6 =	vshll.u32 v6, $0x3  }
0x28: {  	v3 =	vshrl.u32 v3, $0x4;
	v7 =	vadd.s32 v7, v9;
	v2 =	vor.u32 v2, v6  }
0x29: {  	s21 =	simm.s32 $0x960;
	s23 =	simm.s32 $0x323;
	v3 =	vand.u32 $0x7, v3;
	v7 =	vshll.u32 v7, $0x3;
	v6 =	vld [tilespmem:$0x0];
	[tilespmem:s20+$0x10] =	vst v2  }
0x2a: {  	s22 =	simm.s32 $0x4;
	v12 =	vadd.s32 s23, v0;
	v9 =	vadd.s32 s21, v0;
	v2 =	vor.u32 v3, v7;
	v8 =	vld.idx.msk [tilespmem:v11+s9+$0x0], $0xffff  }
0x2b: {  	v3 =	vadd.s32 s22, v0;
	[tilespmem:s20+$0xFFFFFFD0] =	vst v2;
	v2 =	vshrl.u32 v4, $0x7;
	v11 =	vshrl.u32 v5, $0x7  }
0x2c: {  	s18 =	simm.s32 $0x322;
	v5 =	vshrl.u32 v5, $0x4;
	v10 =	vld.idx.msk [tilespmem:v10+s9+$0x0], $0xffff;
	v2 =	vmul.u32 $0x3E8, v2;
	v11 =	vmul.u32 $0x3E8, v11  }
0x2d: {  	v7 =	vadd.s32 s18, v0;
	v13 =	vld [tilespmem:$0x20];
	v4 =	vshrl.u32 v4, $0x4;
	v5 =	vand.u32 $0x7, v5  }
0x2e: {  	v4 =	vand.u32 $0x7, v4;
	v2 =	vadd.s32 v6, v2;
	v6 =	vadd.s32 v6, v11  }
0x2f: {  	v2 =	vshll.u32 v2, $0x3;
	v6 =	vshll.u32 v6, $0x3;
	v11 =	vshrl.u32 v8, $0x7  }
0x30: {  	s24 =	simm.s32 $0x961;
	s21 =	simm.s32 $0x1A40;
	v14 =	vld [tilespmem:$0x20];
	v2 =	vor.u32 v4, v2;
	v4 =	vor.u32 v5, v6;
	v5 =	vmul.u32 $0x3E8, v11  }
0x31: {  	v3 =	vld.idx.msk [tilespmem:v3+s9+$0x0], $0xffff;
	[tilespmem:s21+$0x0] =	vst v2;
	v2 =	vshrl.u32 v10, $0x7;
	v6 =	vshrl.u32 v10, $0x4;
	v10 =	vadd.s32 s24, v0  }
0x32: {  	v8 =	vshrl.u32 v8, $0x4;
	[tilespmem:s21+$0xFFFFFFC0] =	vst v4;
	v4 =	vld.idx.msk [tilespmem:v12+s9+$0x0], $0xffff;
	v5 =	vadd.s32 v13, v5  }
0x33: {  	v8 =	vand.u32 $0x7, v8;
	v2 =	vmul.u32 $0x3E8, v2;
	v7 =	vld.idx.msk [tilespmem:v7+s9+$0x0], $0xffff;
	v5 =	vshll.u32 v5, $0x3  }
0x34: {  	s25 =	simm.s32 $0x5;
	s26 =	simm.s32 $0x324;
	v52 =	vld [tilespmem:$0x10];
	v5 =	vor.u32 v8, v5  }
0x35: {  	s28 =	simm.s32 $0x642;
	v53 =	vadd.s32 s26, v0;
	v2 =	vadd.s32 v14, v2;
	v8 =	vld [tilespmem:$0x10];
	[tilespmem:s20+$0x20] =	vst v5;
	v5 =	vadd.s32 s25, v0  }
0x36: {  	s29 =	simm.s32 $0x643;
	v54 =	vadd.s32 s28, v0;
	v6 =	vand.u32 $0x7, v6;
	v2 =	vshll.u32 v2, $0x3;
	v10 =	vld.idx.msk [tilespmem:v10+s9+$0x0], $0xffff  }
0x37: {  	v17 =	vadd.s32 s29, v0;
	v6 =	vor.u32 v6, v2;
	v15 =	vshrl.u32 v4, $0x7  }
0x38: {  	[tilespmem:s20+$0xFFFFFFE0] =	vst v6;
	v6 =	vshrl.u32 v3, $0x7;
	v16 =	vshrl.u32 v7, $0x7;
	v18 =	vld [tilespmem:$0x30];
	v15 =	vmul.u32 $0x3E8, v15  }
0x39: {  	v7 =	vshrl.u32 v7, $0x4;
	v4 =	vshrl.u32 v4, $0x4;
	v9 =	vld.idx.msk [tilespmem:v9+s9+$0x0], $0xffff;
	v16 =	vmul.u32 $0x3E8, v16  }
0x3a: {  	v7 =	vand.u32 $0x7, v7;
	v4 =	vand.u32 $0x7, v4;
	v8 =	vadd.s32 v8, v15;
	v5 =	vld.idx.msk [tilespmem:v5+s9+$0x0], $0xffff  }
0x3b: {  	v12 =	vadd.s32 v52, v16;
	v8 =	vshll.u32 v8, $0x3;
	v55 =	vshrl.u32 v10, $0x7  }
0x3c: {  	s23 =	simm.s32 $0x6;
	v12 =	vshll.u32 v12, $0x3;
	v4 =	vor.u32 v4, v8;
	v8 =	vmul.u32 $0x3E8, v55  }
0x3d: {  	v57 =	vld [tilespmem:$0x0];
	v11 =	vadd.s32 s23, v0;
	v6 =	vmul.u32 $0x3E8, v6;
	v7 =	vor.u32 v7, v12  }
0x3e: {  	v10 =	vshrl.u32 v10, $0x4;
	[tilespmem:s21+$0x10] =	vst v4;
	v4 =	vshrl.u32 v9, $0x7;
	v8 =	vadd.s32 v18, v8  }
0x3f: {  	v56 =	vld [tilespmem:$0x30];
	[tilespmem:s21+$0xFFFFFFD0] =	vst v7;
	v7 =	vshll.u32 v8, $0x3;
	v8 =	vand.u32 $0x7, v10;
	v10 =	vshrl.u32 v5, $0x7  }
0x40: {  	s30 =	simm.s32 $0x325;
	v9 =	vshrl.u32 v9, $0x4;
	v58 =	vld.idx.msk [tilespmem:v17+s9+$0x0], $0xffff;
	v8 =	vor.u32 v8, v7;
	v7 =	vmul.u32 $0x3E8, v10  }
0x41: {  	v3 =	vshrl.u32 v3, $0x4;
	v59 =	vand.u32 $0x7, v9;
	v9 =	vadd.s32 s30, v0  }
0x42: {  	v6 =	vadd.s32 v57, v6;
	v14 =	vld.idx.msk [tilespmem:v54+s9+$0x0], $0xffff;
	v5 =	vshrl.u32 v5, $0x4;
	v7 =	vadd.s32 v57, v7  }
0x43: {  	v4 =	vmul.u32 $0x3E8, v4;
	v10 =	vld [tilespmem:$0x20];
	v5 =	vand.u32 $0x7, v5;
	v7 =	vshll.u32 v7, $0x3  }
0x44: {  	s24 =	simm.s32 $0x1AC0;
	v3 =	vand.u32 $0x7, v3;
	v6 =	vshll.u32 v6, $0x3;
	v5 =	vor.u32 v5, v7  }
0x45: {  	v3 =	vor.u32 v3, v6;
	v60 =	vld [tilespmem:$0x20];
	v4 =	vadd.s32 v56, v4;
	v61 =	vshrl.u32 v58, $0x7;
	[tilespmem:s24+$0x0] =	vst v5  }
0x46: {  	s31 =	simm.s32 $0x963;
	v62 =	vshll.u32 v4, $0x3;
	v16 =	vmul.u32 $0x3E8, v61;
	v4 =	vld.idx.msk [tilespmem:v9+s9+$0x0], $0xffff;
	v9 =	vshrl.u32 v58, $0x4  }
0x47: {  	[tilespmem:s24+$0xFFFFFFC0] =	vst v3;
	v5 =	vshrl.u32 v14, $0x7;
	v12 =	vand.u32 $0x7, v9;
	v9 =	vadd.s32 s31, v0  }
0x48: {  	s11 =	simm.s32 $0x962;
	v6 =	vld.idx.msk [tilespmem:v53+s9+$0x0], $0xffff;
	v3 =	vmul.u32 $0x3E8, v5;
	v5 =	vadd.s32 v10, v16  }
0x49: {  	v2 =	vadd.s32 s11, v0;
	v7 =	vld.idx.msk [tilespmem:v11+s9+$0x0], $0xffff;
	v11 =	vshll.u32 v5, $0x3  }
0x4a: {  	[tilespmem:s20+$0x30] =	vst v8;
	v10 =	vshrl.u32 v14, $0x4;
	v8 =	vld [tilespmem:$0x10];
	v63 =	vadd.s32 v60, v3;
	v12 =	vor.u32 v12, v11  }
0x4b: {  	s0 =	simm.s32 $0x8;
	s1 =	simm.s32 $0x964;
	s11 =	simm.s32 $0x7;
	v5 =	vld [tilespmem:$0x10];
	v10 =	vand.u32 $0x7, v10;
	v3 =	vor.u32 v59, v62;
	v11 =	vshll.u32 v63, $0x3;
	[tilespmem:s21+$0x20] =	vst v12  }
.LBB2_2:
0x4c: {  	v12 =	vadd.s32 s0, v0;
	p0 =	slt.u32 s0, $0x30;
	s13 =	sadd.s32 $0x320, s23;
	v13 =	vadd.s32 s11, v0;
	s11 =	sadd.s32 $0x640, s22;
	v10 =	vor.u32 v10, v11;
	v9 =	vld.idx.msk [tilespmem:v9+s9+$0x0], $0xffff;
	[tilespmem:s20+$0xFFFFFFF0] =	vst v3  }
0x4d: {  	v14 =	vadd.s32 s1, v0;
	s20 =	smov.u32 s21;
	v3 =	vadd.s32 s13, v0;
	v11 =	vadd.s32 s11, v0;
	[tilespmem:s21+$0xFFFFFFE0] =	vst v10;
	s21 =	smov.u32 s24  }
0x4e: {  	v10 =	vshrl.u32 v7, $0x7;
	v7 =	vshrl.u32 v7, $0x4;
	v15 =	vshrl.u32 v4, $0x7;
	v16 =	vld.idx.msk [tilespmem:v2+s9+$0x0], $0xffff;
	v2 =	vmovc v14  }
0x4f: {  	s1 =	sadd.s32 $0x641, s22;
	v14 =	vshrl.u32 v6, $0x7;
	v6 =	vshrl.u32 v6, $0x4;
	v15 =	vmul.u32 $0x3E8, v15;
	v17 =	vld [tilespmem:$0x30]  }
0x50: {  	v18 =	vadd.s32 s1, v0;
	v14 =	vmul.u32 $0x3E8, v14;
	v6 =	vand.u32 $0x7, v6;
	v19 =	vld [tilespmem:$0x30]  }
0x51: {  	v4 =	vshrl.u32 v4, $0x4;
	v10 =	vmul.u32 $0x3E8, v10;
	v8 =	vadd.s32 v8, v15;
	v13 =	vld.idx.msk [tilespmem:v13+s9+$0x0], $0xffff  }
0x52: {  	v4 =	vand.u32 $0x7, v4;
	v8 =	vshll.u32 v8, $0x3;
	v15 =	vshrl.u32 v9, $0x7  }
0x53: {  	v5 =	vadd.s32 v5, v14;
	v4 =	vor.u32 v4, v8;
	v8 =	vmul.u32 $0x3E8, v15  }
0x54: {  	v5 =	vshll.u32 v5, $0x3;
	v15 =	vshrl.u32 v16, $0x4;
	v14 =	vld [tilespmem:$0x0];
	[tilespmem:s24+$0x10] =	vst v4;
	v4 =	vshrl.u32 v16, $0x7  }
0x55: {  	v9 =	vshrl.u32 v9, $0x4;
	v5 =	vor.u32 v6, v5;
	v6 =	vld.idx.msk [tilespmem:v18+s9+$0x0], $0xffff;
	v8 =	vadd.s32 v19, v8  }
0x56: {  	v4 =	vmul.u32 $0x3E8, v4;
	[tilespmem:s24+$0xFFFFFFD0] =	vst v5;
	v5 =	vshll.u32 v8, $0x3;
	v8 =	vand.u32 $0x7, v9  }
0x57: {  	v15 =	vand.u32 $0x7, v15;
	v9 =	vshrl.u32 v13, $0x7;
	v11 =	vld.idx.msk [tilespmem:v11+s9+$0x0], $0xffff;
	v5 =	vor.u32 v8, v5  }
0x58: {  	s1 =	sadd.s32 $0x321, s23;
	v7 =	vand.u32 $0x7, v7;
	v8 =	vmul.u32 $0x3E8, v9;
	v4 =	vadd.s32 v17, v4;
	v16 =	vld [tilespmem:$0x20];
	[tilespmem:s20+$0x30] =	vst v5  }
0x59: {  	v18 =	vshll.u32 v4, $0x3;
	v5 =	vadd.s32 v14, v10;
	v10 =	vadd.s32 s1, v0;
	v17 =	vld [tilespmem:$0x20]  }
0x5a: {  	v4 =	vshll.u32 v5, $0x3;
	v5 =	vadd.s32 v14, v8;
	v8 =	vshrl.u32 v13, $0x4  }
0x5b: {  	v9 =	vshrl.u32 v6, $0x7;
	v5 =	vshll.u32 v5, $0x3;
	v8 =	vand.u32 $0x7, v8  }
0x5c: {  	s24 =	sadd.s32 $0x80, s24;
	s1 =	sadd.s32 $0x961, s22;
	s22 =	smov.u32 s23;
	v4 =	vor.u32 v7, v4;
	v5 =	vor.u32 v8, v5;
	v8 =	vmul.u32 $0x3E8, v9  }
.Ltmp0:
0x5d: {  	s23 =	smov.u32 s0;
	v9 =	vadd.s32 s1, v0;
	v7 =	vld.idx.msk [tilespmem:v12+s9+$0x0], $0xffff;
	[tilespmem:s24+$0x0] =	vst v5;
	v5 =	vshrl.u32 v11, $0x7;
	v11 =	vshrl.u32 v11, $0x4;
	(pc) =	sbr.rel @p0 .LBB2_2-.Ltmp0, $4  }
0x5e: {  	[tilespmem:s24+$0xFFFFFFC0] =	vst v4;
	v4 =	vld.idx.msk [tilespmem:v10+s9+$0x0], $0xffff;
	v12 =	vmul.u32 $0x3E8, v5;
	v5 =	vadd.s32 v17, v8;
	v8 =	vshrl.u32 v6, $0x4  }
0x5f: {  	v10 =	vand.u32 $0x7, v11;
	v6 =	vld.idx.msk [tilespmem:v3+s9+$0x0], $0xffff;
	v3 =	vshll.u32 v5, $0x3;
	v8 =	vand.u32 $0x7, v8  }
0x60: {  	v5 =	vld [tilespmem:$0x10];
	v11 =	vadd.s32 v16, v12;
	v12 =	vor.u32 v8, v3;
	v3 =	vor.u32 v15, v18  }
0x61: {  	s0 =	sadd.s32 $0x2, s0;
	s11 =	sadd.s32 $0x1, s23;
	s1 =	sadd.s32 $0x960, s22;
	v8 =	vld [tilespmem:$0x10];
	v11 =	vshll.u32 v11, $0x3;
	[tilespmem:s21+$0x20] =	vst v12  }
0x62: {  	v12 =	vadd.s32 s11, v0;
	_ =	sdelay $0x4  }
0x63: {  	v12 =	vld.idx.msk [tilespmem:v12+s9+$0x0], $0xffff;
	_ =	sdelay $0x2  }
0x64: {  	v13 =	vld [tilespmem:$0x0];
	_ =	sdelay $0x1  }
0x65: {  	v15 =	vshrl.u32 v7, $0x7;
	v14 =	vshrl.u32 v12, $0x7  }
0x66: {  	s0 =	sadd.s32 $0x321, s23;
	s29 =	sadd.s32 $0x320, s23;
	v7 =	vshrl.u32 v7, $0x4;
	v10 =	vor.u32 v10, v11;
	v14 =	vmul.u32 $0x3E8, v14  }
0x67: {  	v16 =	vadd.s32 s0, v0;
	v15 =	vmul.u32 $0x3E8, v15;
	v17 =	vadd.s32 s29, v0  }
0x68: {  	v7 =	vand.u32 $0x7, v7;
	v12 =	vshrl.u32 v12, $0x4;
	v14 =	vadd.s32 v13, v14  }
0x69: {  	v12 =	vand.u32 $0x7, v12;
	v13 =	vadd.s32 v13, v15;
	v14 =	vshll.u32 v14, $0x3  }
0x6a: {  	s30 =	sadd.s32 $0x80, s24;
	v11 =	vshrl.u32 v4, $0x7;
	v13 =	vshll.u32 v13, $0x3;
	v12 =	vor.u32 v12, v14  }
0x6b: {  	v9 =	vld.idx.msk [tilespmem:v9+s9+$0x0], $0xffff;
	v11 =	vmul.u32 $0x3E8, v11;
	v7 =	vor.u32 v7, v13;
	[tilespmem:s30+$0x0] =	vst v12  }
0x6c: {  	s13 =	sadd.s32 $0x641, s22;
	v4 =	vshrl.u32 v4, $0x4;
	[tilespmem:s30+$0xFFFFFFC0] =	vst v7;
	v7 =	vshrl.u32 v6, $0x7;
	v12 =	vld.idx.msk [tilespmem:v16+s9+$0x0], $0xffff  }
0x6d: {  	s31 =	sadd.s32 $0x640, s22;
	s22 =	sadd.s32 $0x961, s22;
	v8 =	vadd.s32 v8, v11;
	v15 =	vadd.s32 s13, v0;
	v57 =	vld.idx.msk [tilespmem:v17+s9+$0x0], $0xffff;
	v7 =	vmul.u32 $0x3E8, v7  }
0x6e: {  	v60 =	vadd.s32 s22, v0;
	v4 =	vand.u32 $0x7, v4;
	v8 =	vshll.u32 v8, $0x3  }
0x6f: {  	v13 =	vadd.s32 s31, v0;
	v6 =	vshrl.u32 v6, $0x4;
	v11 =	vld [tilespmem:$0x10];
	v5 =	vadd.s32 v5, v7  }
0x70: {  	[tilespmem:s21+$0xFFFFFFE0] =	vst v10;
	v4 =	vor.u32 v4, v8;
	v6 =	vand.u32 $0x7, v6;
	v7 =	vld [tilespmem:$0x10];
	v5 =	vshll.u32 v5, $0x3  }
0x71: {  	s17 =	sadd.s32 $0x641, s23;
	v10 =	vshrl.u32 v9, $0x7;
	[tilespmem:s24+$0x10] =	vst v4;
	v5 =	vor.u32 v6, v5;
	v8 =	vshrl.u32 v12, $0x7  }
0x72: {  	v6 =	vld.idx.msk [tilespmem:v15+s9+$0x0], $0xffff;
	v15 =	vadd.s32 s17, v0;
	v4 =	vmul.u32 $0x3E8, v8;
	v8 =	vshrl.u32 v57, $0x7  }
0x73: {  	s18 =	sadd.s32 $0x640, s23;
	v2 =	vld.idx.msk [tilespmem:v2+s9+$0x0], $0xffff;
	[tilespmem:s24+$0xFFFFFFD0] =	vst v5;
	v16 =	vshrl.u32 v57, $0x4;
	v5 =	vmul.u32 $0x3E8, v8;
	v8 =	vshrl.u32 v12, $0x4  }
0x74: {  	v12 =	vadd.s32 s18, v0;
	v4 =	vadd.s32 v11, v4;
	v11 =	vld.idx.msk [tilespmem:v13+s9+$0x0], $0xffff;
	v8 =	vand.u32 $0x7, v8  }
0x75: {  	v58 =	vld [tilespmem:$0x30];
	v4 =	vshll.u32 v4, $0x3;
	v5 =	vadd.s32 v7, v5;
	v7 =	vmul.u32 $0x3E8, v10  }
0x76: {  	v13 =	vld [tilespmem:$0x20];
	v10 =	vand.u32 $0x7, v16;
	v4 =	vor.u32 v8, v4;
	v5 =	vshll.u32 v5, $0x3  }
0x77: {  	v59 =	vshrl.u32 v6, $0x7;
	v6 =	vshrl.u32 v6, $0x4;
	v8 =	vld [tilespmem:$0x20];
	[tilespmem:s30+$0x10] =	vst v4;
	v5 =	vor.u32 v10, v5  }
0x78: {  	v14 =	vadd.s32 s1, v0;
	v6 =	vand.u32 $0x7, v6;
	v4 =	vshrl.u32 v2, $0x7;
	v10 =	vld.idx.msk [tilespmem:v15+s9+$0x0], $0xffff;
	[tilespmem:s30+$0xFFFFFFD0] =	vst v5  }
0x79: {  	v15 =	vmul.u32 $0x3E8, v59;
	v5 =	vshrl.u32 v9, $0x4;
	v9 =	vshrl.u32 v11, $0x7;
	v12 =	vld.idx.msk [tilespmem:v12+s9+$0x0], $0xffff  }
0x7a: {  	v2 =	vshrl.u32 v2, $0x4;
	v7 =	vadd.s32 v58, v7;
	v9 =	vmul.u32 $0x3E8, v9  }
0x7b: {  	v4 =	vmul.u32 $0x3E8, v4;
	v11 =	vshrl.u32 v11, $0x4;
	v13 =	vadd.s32 v13, v15;
	v15 =	vld [tilespmem:$0x20]  }
0x7c: {  	v11 =	vand.u32 $0x7, v11;
	v13 =	vshll.u32 v13, $0x3;
	v8 =	vadd.s32 v8, v9;
	v9 =	vld [tilespmem:$0x20]  }
0x7d: {  	v6 =	vor.u32 v6, v13;
	v61 =	vshrl.u32 v10, $0x7;
	v8 =	vshll.u32 v8, $0x3  }
0x7e: {  	s25 =	sadd.s32 $0x961, s23;
	v62 =	vld [tilespmem:$0x30];
	[tilespmem:s24+$0x20] =	vst v6;
	v13 =	vmul.u32 $0x3E8, v61;
	v6 =	vor.u32 v11, v8;
	v8 =	vshrl.u32 v12, $0x7  }
0x7f: {  	s26 =	sadd.s32 $0x960, s23;
	v10 =	vshrl.u32 v10, $0x4;
	v11 =	vadd.s32 s25, v0;
	v16 =	vld.idx.msk [tilespmem:v60+s9+$0x0], $0xffff;
	v8 =	vmul.u32 $0x3E8, v8  }
0x80: {  	v10 =	vand.u32 $0x7, v10;
	[tilespmem:s24+$0xFFFFFFE0] =	vst v6;
	v13 =	vadd.s32 v15, v13;
	v15 =	vadd.s32 s26, v0  }
0x81: {  	v12 =	vshrl.u32 v12, $0x4;
	v6 =	vshll.u32 v13, $0x3;
	v13 =	vld.idx.msk [tilespmem:v14+s9+$0x0], $0xffff;
	v8 =	vadd.s32 v9, v8  }
0x82: {  	v9 =	vld [tilespmem:$0x30];
	v6 =	vor.u32 v10, v6;
	v10 =	vand.u32 $0x7, v12;
	v8 =	vshll.u32 v8, $0x3  }
0x83: {  	v2 =	vand.u32 $0x7, v2;
	[tilespmem:s30+$0x20] =	vst v6;
	v6 =	vshll.u32 v7, $0x3;
	v7 =	vor.u32 v10, v8;
	v10 =	vld [tilespmem:$0x30]  }
0x84: {  	v5 =	vand.u32 $0x7, v5;
	v4 =	vadd.s32 v62, v4;
	v8 =	vld.idx.msk [tilespmem:v11+s9+$0x0], $0xffff;
	v11 =	vshrl.u32 v16, $0x7;
	[tilespmem:s30+$0xFFFFFFE0] =	vst v7  }
0x85: {  	v4 =	vshll.u32 v4, $0x3;
	v5 =	vor.u32 v5, v6;
	v6 =	vmul.u32 $0x3E8, v11;
	v7 =	vld.idx.msk [tilespmem:v15+s9+$0x0], $0xffff  }
0x86: {  	v2 =	vor.u32 v2, v4;
	v4 =	vshrl.u32 v13, $0x7;
	v11 =	vshrl.u32 v13, $0x4  }
0x87: {  	v12 =	vld [tilespmem:$0x30];
	v6 =	vadd.s32 v9, v6;
	v9 =	vshrl.u32 v16, $0x4;
	v4 =	vmul.u32 $0x3E8, v4  }
0x88: {  	v13 =	vld [tilespmem:$0x30];
	v11 =	vand.u32 $0x7, v11;
	v6 =	vshll.u32 v6, $0x3;
	v9 =	vand.u32 $0x7, v9  }
0x89: {  	[tilespmem:s20+$0xFFFFFFF0] =	vst v3;
	v14 =	vshrl.u32 v8, $0x7;
	v4 =	vadd.s32 v10, v4;
	v3 =	vor.u32 v9, v6  }
0x8a: {  	[tilespmem:s21+$0xFFFFFFF0] =	vst v2;
	v10 =	vmul.u32 $0x3E8, v14;
	v4 =	vshll.u32 v4, $0x3;
	v6 =	vshrl.u32 v7, $0x7  }
0x8b: {  	[tilespmem:s21+$0x30] =	vst v5;
	v2 =	vshrl.u32 v7, $0x4;
	v7 =	vshrl.u32 v8, $0x4;
	v6 =	vmul.u32 $0x3E8, v6  }
0x8c: {  	s28 =	simm.s32 $0xC80;
	[tilespmem:s24+$0x30] =	vst v3;
	v4 =	vor.u32 v11, v4;
	v3 =	vand.u32 $0x7, v7;
	v5 =	vadd.s32 v12, v10  }
0x8d: {  	v7 =	vadd.s32 s28, v0;
	v5 =	vshll.u32 v5, $0x3;
	v6 =	vadd.s32 v13, v6  }
0x8e: {  	s29 =	simm.s32 $0xC81;
	v2 =	vand.u32 $0x7, v2;
	[tilespmem:s24+$0xFFFFFFF0] =	vst v4;
	v3 =	vor.u32 v3, v5;
	v4 =	vshll.u32 v6, $0x3  }
0x8f: {  	[tilespmem:s30+$0x30] =	vst v3;
	v2 =	vor.u32 v2, v4;
	v3 =	vadd.s32 s29, v0  }
0x90: {  	[tilespmem:s30+$0xFFFFFFF0] =	vst v2;
	s30 =	simm.s32 $0x1980  }
0x91: {  	[tilespmem:s12], [sflag:$0x1] =	stream.indirect.gather [hbm4b:s3+s10], $0x10, s30, s10, $0xb8;
	[tilespmem:$0x1DB80] =	vst v63  }
0x92: {  	v2 =	vld.idx.msk [tilespmem:v7+s9+$0x0], $0xffff;
	_ =	sdelay $0x1  }
0x93: {  	v3 =	vld.idx.msk [tilespmem:v3+s9+$0x0], $0xffff  }
0x94: {  	v4 =	vld [tilespmem:$0x40];
	_ =	sdelay $0x1  }
0x95: {  	v5 =	vshrl.u32 v2, $0x7  }
0x96: {  	s31 =	simm.s32 $0xFA0;
	v5 =	vmul.u32 $0x3E8, v5  }
0x97: {  	v6 =	vadd.s32 s31, v0;
	v7 =	vshrl.u32 v3, $0x7  }
0x98: {  	s1 =	simm.s32 $0xFA1;
	v2 =	vshrl.u32 v2, $0x4;
	v7 =	vmul.u32 $0x3E8, v7;
	v5 =	vadd.s32 v4, v5  }
0x99: {  	v8 =	vadd.s32 s1, v0;
	v2 =	vand.u32 $0x7, v2;
	v5 =	vshll.u32 v5, $0x3  }
0x9a: {  	s20 =	simm.s32 $0x2640;
	v3 =	vshrl.u32 v3, $0x4;
	v4 =	vadd.s32 v4, v7;
	v2 =	vor.u32 v2, v5  }
0x9b: {  	v3 =	vand.u32 $0x7, v3;
	v4 =	vshll.u32 v4, $0x3;
	[tilespmem:s20+$0xFFFFFFC0] =	vst v2  }
0x9c: {  	s11 =	simm.s32 $0xC82;
	v2 =	vor.u32 v3, v4;
	v3 =	vld.idx.msk [tilespmem:v6+s9+$0x0], $0xffff  }
0x9d: {  	s13 =	simm.s32 $0xC83;
	[tilespmem:s20+$0x0] =	vst v2;
	v2 =	vadd.s32 s11, v0  }
0x9e: {  	v5 =	vadd.s32 s13, v0;
	v4 =	vld.idx.msk [tilespmem:v8+s9+$0x0], $0xffff  }
0x9f: {  	v6 =	vld [tilespmem:$0x50];
	_ =	sdelay $0x1  }
0xa0: {  	v7 =	vld [tilespmem:$0x50];
	v8 =	vshrl.u32 v3, $0x7  }
0xa1: {  	s18 =	simm.s32 $0x12C1;
	v8 =	vmul.u32 $0x3E8, v8;
	v2 =	vld.idx.msk [tilespmem:v2+s9+$0x0], $0xffff  }
0xa2: {  	v11 =	vadd.s32 s18, v0;
	v5 =	vld.idx.msk [tilespmem:v5+s9+$0x0], $0xffff;
	v9 =	vshrl.u32 v4, $0x7  }
0xa3: {  	s17 =	simm.s32 $0x12C0;
	v3 =	vshrl.u32 v3, $0x4;
	v6 =	vadd.s32 v6, v8;
	v8 =	vmul.u32 $0x3E8, v9  }
0xa4: {  	v10 =	vld [tilespmem:$0x40];
	v3 =	vand.u32 $0x7, v3;
	v9 =	vadd.s32 s17, v0;
	v6 =	vshll.u32 v6, $0x3  }
0xa5: {  	v4 =	vshrl.u32 v4, $0x4;
	v3 =	vor.u32 v3, v6;
	v6 =	vadd.s32 v7, v8  }
0xa6: {  	v4 =	vand.u32 $0x7, v4;
	v6 =	vshll.u32 v6, $0x3;
	v7 =	vshrl.u32 v2, $0x7  }
0xa7: {  	s21 =	simm.s32 $0xFA2;
	v4 =	vor.u32 v4, v6;
	v6 =	vmul.u32 $0x3E8, v7;
	v7 =	vshrl.u32 v5, $0x7  }
0xa8: {  	s22 =	simm.s32 $0xFA3;
	v8 =	vadd.s32 s21, v0;
	v2 =	vshrl.u32 v2, $0x4;
	[tilespmem:s20+$0xFFFFFFD0] =	vst v3;
	v7 =	vmul.u32 $0x3E8, v7  }
0xa9: {  	v3 =	vshrl.u32 v5, $0x4;
	[tilespmem:s20+$0x10] =	vst v4;
	v4 =	vld.idx.msk [tilespmem:v9+s9+$0x0], $0xffff;
	v5 =	vadd.s32 v10, v6;
	v6 =	vadd.s32 s22, v0  }
0xaa: {  	v2 =	vand.u32 $0x7, v2;
	v5 =	vshll.u32 v5, $0x3;
	v7 =	vadd.s32 v10, v7  }
0xab: {  	s21 =	simm.s32 $0x26C0;
	v3 =	vand.u32 $0x7, v3;
	v9 =	vld.idx.msk [tilespmem:v11+s9+$0x0], $0xffff;
	v2 =	vor.u32 v2, v5;
	v5 =	vshll.u32 v7, $0x3  }
0xac: {  	s24 =	simm.s32 $0xC85;
	[tilespmem:s21+$0xFFFFFFC0] =	vst v2;
	v2 =	vor.u32 v3, v5;
	v3 =	vld [tilespmem:$0x60]  }
0xad: {  	s23 =	simm.s32 $0xC84;
	v5 =	vld.idx.msk [tilespmem:v8+s9+$0x0], $0xffff;
	[tilespmem:s21+$0x0] =	vst v2;
	v8 =	vadd.s32 s24, v0  }
0xae: {  	v7 =	vshrl.u32 v4, $0x7;
	v2 =	vld.idx.msk [tilespmem:v6+s9+$0x0], $0xffff;
	v6 =	vadd.s32 s23, v0  }
0xaf: {  	s25 =	simm.s32 $0x15E0;
	s26 =	simm.s32 $0x12C2;
	v7 =	vmul.u32 $0x3E8, v7  }
0xb0: {  	v15 =	vadd.s32 s26, v0;
	v13 =	vadd.s32 s25, v0;
	v10 =	vld [tilespmem:$0x50];
	v4 =	vshrl.u32 v4, $0x4  }
0xb1: {  	v11 =	vshrl.u32 v9, $0x7;
	v9 =	vshrl.u32 v9, $0x4;
	v12 =	vld [tilespmem:$0x50];
	v3 =	vadd.s32 v3, v7  }
0xb2: {  	v4 =	vand.u32 $0x7, v4;
	v14 =	vshrl.u32 v5, $0x7;
	v3 =	vshll.u32 v3, $0x3;
	v8 =	vld.idx.msk [tilespmem:v8+s9+$0x0], $0xffff  }
0xb3: {  	v5 =	vshrl.u32 v5, $0x4;
	v7 =	vmul.u32 $0x3E8, v14;
	v14 =	vshrl.u32 v2, $0x7;
	v6 =	vld.idx.msk [tilespmem:v6+s9+$0x0], $0xffff  }
0xb4: {  	v2 =	vshrl.u32 v2, $0x4;
	v5 =	vand.u32 $0x7, v5;
	v14 =	vmul.u32 $0x3E8, v14  }
0xb5: {  	s28 =	simm.s32 $0x12C3;
	v3 =	vor.u32 v4, v3;
	v2 =	vand.u32 $0x7, v2;
	v7 =	vadd.s32 v10, v7  }
0xb6: {  	s29 =	simm.s32 $0xFA4;
	v10 =	vadd.s32 s28, v0;
	v7 =	vshll.u32 v7, $0x3;
	v12 =	vadd.s32 v12, v14;
	v14 =	vld [tilespmem:$0x40]  }
0xb7: {  	[tilespmem:s20+$0xFFFFFFE0] =	vst v3;
	v5 =	vor.u32 v5, v7;
	v7 =	vshll.u32 v12, $0x3;
	v12 =	vadd.s32 s29, v0  }
0xb8: {  	v13 =	vld.idx.msk [tilespmem:v13+s9+$0x0], $0xffff;
	[tilespmem:s21+$0xFFFFFFD0] =	vst v5;
	v4 =	vshrl.u32 v6, $0x7;
	v5 =	vor.u32 v2, v7;
	v7 =	vshrl.u32 v8, $0x7  }
0xb9: {  	v8 =	vshrl.u32 v8, $0x4;
	v3 =	vld.idx.msk [tilespmem:v15+s9+$0x0], $0xffff;
	v4 =	vmul.u32 $0x3E8, v4;
	[tilespmem:s21+$0x10] =	vst v5;
	v5 =	vmul.u32 $0x3E8, v7  }
0xba: {  	s30 =	simm.s32 $0xFA5;
	v2 =	vand.u32 $0x7, v9;
	v7 =	vshrl.u32 v6, $0x4;
	v15 =	vld [tilespmem:$0x60];
	v8 =	vand.u32 $0x7, v8  }
0xbb: {  	v6 =	vld.idx.msk [tilespmem:v10+s9+$0x0], $0xffff;
	v4 =	vadd.s32 v14, v4;
	v5 =	vadd.s32 v14, v5;
	v14 =	vadd.s32 s30, v0  }
0xbc: {  	v7 =	vand.u32 $0x7, v7;
	v9 =	vshll.u32 v4, $0x3;
	v5 =	vshll.u32 v5, $0x3  }
0xbd: {  	s31 =	simm.s32 $0x15E1;
	s22 =	simm.s32 $0x2740;
	v63 =	vmul.u32 $0x3E8, v11;
	v4 =	vld [tilespmem:$0x70];
	v7 =	vor.u32 v7, v9;
	v10 =	vor.u32 v8, v5  }
0xbe: {  	v9 =	vadd.s32 s31, v0;
	v8 =	vld [tilespmem:$0x60];
	[tilespmem:s22+$0xFFFFFFC0] =	vst v7;
	v7 =	vshrl.u32 v3, $0x7;
	v5 =	vshrl.u32 v3, $0x4  }
0xbf: {  	[tilespmem:s22+$0x0] =	vst v10;
	v11 =	vld.idx.msk [tilespmem:v12+s9+$0x0], $0xffff;
	v10 =	vmul.u32 $0x3E8, v7;
	v12 =	vshrl.u32 v13, $0x7;
	v7 =	vshrl.u32 v13, $0x4  }
0xc0: {  	s0 =	simm.s32 $0x2;
	s1 =	simm.s32 $0x0;
	s11 =	simm.s32 $0x4;
	v3 =	vshrl.u32 v6, $0x7;
	v13 =	vld.idx.msk [tilespmem:v14+s9+$0x0], $0xffff;
	v12 =	vmul.u32 $0x3E8, v12;
	v14 =	vadd.s32 v15, v63  }
.LBB2_4:
0xc1: {  	s13 =	sadd.s32 $0xC82, s11  }
0xc2: {  	s17 =	sadd.s32 $0xC83, s11;
	v6 =	vshrl.u32 v6, $0x4;
	v7 =	vand.u32 $0x7, v7;
	v14 =	vshll.u32 v14, $0x3;
	s23 =	smov.u32 s11;
	s11 =	sadd.s32 $0x2, s11  }
0xc3: {  	v15 =	vadd.s32 s13, v0;
	v16 =	vadd.s32 s17, v0;
	p0 =	slt.u32 s11, $0x30;
	v17 =	vld [tilespmem:$0x50];
	s13 =	sadd.s32 $0x15E2, s1;
	v14 =	vor.u32 v2, v14  }
0xc4: {  	v2 =	vand.u32 $0x7, v6;
	v4 =	vadd.s32 v4, v12;
	v18 =	vld [tilespmem:$0x50];
	v19 =	vadd.s32 s13, v0;
	[tilespmem:s20+$0x20] =	vst v14  }
0xc5: {  	v8 =	vadd.s32 v8, v10;
	v6 =	vshrl.u32 v11, $0x7;
	v4 =	vshll.u32 v4, $0x3;
	v9 =	vld.idx.msk [tilespmem:v9+s9+$0x0], $0xffff  }
0xc6: {  	v8 =	vshll.u32 v8, $0x3;
	v6 =	vmul.u32 $0x3E8, v6;
	v4 =	vor.u32 v7, v4;
	v7 =	vld [tilespmem:$0x70]  }
0xc7: {  	v10 =	vshrl.u32 v11, $0x4;
	v11 =	vshrl.u32 v13, $0x7;
	v12 =	vshrl.u32 v13, $0x4;
	[tilespmem:s20+$0xFFFFFFF0] =	vst v4  }
0xc8: {  	s17 =	sadd.s32 $0x12C3, s0;
	s13 =	sadd.s32 $0x12C2, s0;
	v13 =	vld.idx.msk [tilespmem:v15+s9+$0x0], $0xffff;
	v4 =	vadd.s32 v17, v6;
	v6 =	vand.u32 $0x7, v10;
	v10 =	vmul.u32 $0x3E8, v11  }
0xc9: {  	v14 =	vadd.s32 s13, v0;
	v15 =	vadd.s32 s17, v0;
	v11 =	vld.idx.msk [tilespmem:v16+s9+$0x0], $0xffff;
	v4 =	vshll.u32 v4, $0x3  }
0xca: {  	v5 =	vand.u32 $0x7, v5;
	v4 =	vor.u32 v6, v4;
	v6 =	vadd.s32 v18, v10  }
0xcb: {  	v5 =	vor.u32 v5, v8;
	[tilespmem:s22+$0xFFFFFFD0] =	vst v4;
	v4 =	vshll.u32 v6, $0x3;
	v6 =	vand.u32 $0x7, v12  }
0xcc: {  	s13 =	sadd.s32 $0xFA2, s23;
	v8 =	vld [tilespmem:$0x40];
	v4 =	vor.u32 v6, v4;
	[tilespmem:s21+$0xFFFFFFE0] =	vst v5;
	v5 =	vshrl.u32 v9, $0x7;
	v6 =	vshrl.u32 v9, $0x4  }
0xcd: {  	v10 =	vadd.s32 s13, v0;
	[tilespmem:s22+$0x10] =	vst v4;
	v4 =	vld [tilespmem:$0x70];
	v5 =	vmul.u32 $0x3E8, v5  }
0xce: {  	v9 =	vshrl.u32 v13, $0x7;
	v12 =	vshrl.u32 v13, $0x4;
	v13 =	vld.idx.msk [tilespmem:v14+s9+$0x0], $0xffff;
	v14 =	vand.u32 $0x7, v6  }
0xcf: {  	v9 =	vmul.u32 $0x3E8, v9;
	v6 =	vshrl.u32 v11, $0x7;
	v16 =	vld.idx.msk [tilespmem:v19+s9+$0x0], $0xffff;
	v5 =	vadd.s32 v7, v5  }
0xd0: {  	v11 =	vshrl.u32 v11, $0x4;
	v7 =	vmul.u32 $0x3E8, v6;
	v6 =	vld.idx.msk [tilespmem:v15+s9+$0x0], $0xffff;
	v5 =	vshll.u32 v5, $0x3  }
0xd1: {  	s13 =	sadd.s32 $0xFA3, s23;
	v12 =	vand.u32 $0x7, v12;
	v9 =	vadd.s32 v8, v9;
	v5 =	vor.u32 v14, v5  }
0xd2: {  	v7 =	vadd.s32 v8, v7;
	v14 =	vadd.s32 s13, v0;
	v9 =	vshll.u32 v9, $0x3;
	v15 =	vld [tilespmem:$0x60];
	[tilespmem:s20+$0x30] =	vst v5;
	s20 =	smov.u32 s21;
	s21 =	smov.u32 s22  }
.Ltmp1:
0xd3: {  	s1 =	sadd.s32 $0x15E3, s1;
	v8 =	vand.u32 $0x7, v11;
	v7 =	vshll.u32 v7, $0x3;
	s22 =	sadd.s32 $0x80, s22;
	v5 =	vor.u32 v12, v9;
	(pc) =	sbr.rel @p0 .LBB2_4-.Ltmp1, $4  }
0xd4: {  	v9 =	vadd.s32 s1, v0;
	s1 =	smov.u32 s0;
	s0 =	smov.u32 s23;
	[tilespmem:s22+$0xFFFFFFC0] =	vst v5;
	v5 =	vor.u32 v8, v7;
	v8 =	vld [tilespmem:$0x60]  }
0xd5: {  	v17 =	vmul.u32 $0x3E8, v3;
	v7 =	vshrl.u32 v13, $0x7;
	v11 =	vld.idx.msk [tilespmem:v10+s9+$0x0], $0xffff;
	[tilespmem:s22+$0x0] =	vst v5;
	v5 =	vshrl.u32 v13, $0x4  }
0xd6: {  	v12 =	vshrl.u32 v16, $0x7;
	v10 =	vmul.u32 $0x3E8, v7;
	v7 =	vshrl.u32 v16, $0x4  }
0xd7: {  	v3 =	vshrl.u32 v6, $0x7;
	v12 =	vmul.u32 $0x3E8, v12;
	v13 =	vld.idx.msk [tilespmem:v14+s9+$0x0], $0xffff;
	v14 =	vadd.s32 v15, v17  }
0xd8: {  	_ = 	snop  }
0xd9: {  	v15 =	vld [tilespmem:$0x50]  }
0xda: {  	v16 =	vld [tilespmem:$0x50];
	v14 =	vshll.u32 v14, $0x3  }
0xdb: {  	s11 =	sadd.s32 $0x12C2, s0;
	v2 =	vor.u32 v2, v14;
	v17 =	vshrl.u32 v11, $0x7  }
0xdc: {  	v18 =	vadd.s32 s11, v0;
	v14 =	vmul.u32 $0x3E8, v17;
	v17 =	vshrl.u32 v13, $0x7  }
0xdd: {  	s13 =	sadd.s32 $0x12C3, s0;
	v8 =	vadd.s32 v8, v10;
	v11 =	vshrl.u32 v11, $0x4;
	v17 =	vmul.u32 $0x3E8, v17  }
0xde: {  	v11 =	vand.u32 $0x7, v11;
	v14 =	vadd.s32 v15, v14;
	v15 =	vadd.s32 s13, v0  }
0xdf: {  	v13 =	vshrl.u32 v13, $0x4;
	v14 =	vshll.u32 v14, $0x3;
	v16 =	vadd.s32 v16, v17  }
0xe0: {  	v10 =	vld [tilespmem:$0x60];
	[tilespmem:s20+$0x20] =	vst v2;
	v13 =	vand.u32 $0x7, v13;
	v2 =	vor.u32 v11, v14;
	v11 =	vshll.u32 v16, $0x3  }
0xe1: {  	v9 =	vld.idx.msk [tilespmem:v9+s9+$0x0], $0xffff;
	[tilespmem:s22+$0xFFFFFFD0] =	vst v2;
	v2 =	vor.u32 v13, v11  }
0xe2: {  	[tilespmem:s22+$0x10] =	vst v2;
	v2 =	vld.idx.msk [tilespmem:v18+s9+$0x0], $0xffff  }
0xe3: {  	s26 =	sadd.s32 $0x15E2, s1;
	v6 =	vshrl.u32 v6, $0x4;
	v3 =	vmul.u32 $0x3E8, v3;
	v11 =	vld.idx.msk [tilespmem:v15+s9+$0x0], $0xffff  }
0xe4: {  	v5 =	vand.u32 $0x7, v5;
	v6 =	vand.u32 $0x7, v6;
	v13 =	vadd.s32 s26, v0  }
0xe5: {  	v4 =	vadd.s32 v4, v12;
	v8 =	vshll.u32 v8, $0x3;
	v3 =	vadd.s32 v10, v3;
	v12 =	vld [tilespmem:$0x60]  }
0xe6: {  	s30 =	sadd.s32 $0x15E3, s1;
	v5 =	vor.u32 v5, v8;
	v3 =	vshll.u32 v3, $0x3;
	v8 =	vshrl.u32 v9, $0x7;
	v15 =	vld [tilespmem:$0x60]  }
0xe7: {  	v16 =	vadd.s32 s30, v0;
	v3 =	vor.u32 v6, v3;
	v14 =	vshrl.u32 v2, $0x7  }
0xe8: {  	s31 =	sadd.s32 $0x15E2, s0;
	[tilespmem:s21+$0xFFFFFFE0] =	vst v5;
	v17 =	vld [tilespmem:$0x70];
	v8 =	vmul.u32 $0x3E8, v8;
	v14 =	vmul.u32 $0x3E8, v14;
	v5 =	vshrl.u32 v11, $0x7  }
0xe9: {  	s11 =	sadd.s32 $0x15E3, s0;
	v10 =	vshrl.u32 v11, $0x4;
	v11 =	vld.idx.msk [tilespmem:v13+s9+$0x0], $0xffff;
	v13 =	vadd.s32 s31, v0;
	v5 =	vmul.u32 $0x3E8, v5  }
0xea: {  	v2 =	vshrl.u32 v2, $0x4;
	v6 =	vadd.s32 v12, v14;
	v12 =	vadd.s32 s11, v0  }
0xeb: {  	[tilespmem:s21+$0x20] =	vst v3;
	v2 =	vand.u32 $0x7, v2;
	v14 =	vld [tilespmem:$0x70];
	v3 =	vshll.u32 v6, $0x3;
	v5 =	vadd.s32 v15, v5  }
0xec: {  	v6 =	vand.u32 $0x7, v10;
	v10 =	vld.idx.msk [tilespmem:v16+s9+$0x0], $0xffff;
	v2 =	vor.u32 v2, v3;
	v3 =	vshll.u32 v5, $0x3  }
0xed: {  	v4 =	vshll.u32 v4, $0x3;
	v5 =	vand.u32 $0x7, v7;
	v7 =	vld [tilespmem:$0x70];
	[tilespmem:s22+$0xFFFFFFE0] =	vst v2;
	v2 =	vor.u32 v6, v3  }
0xee: {  	v3 =	vshrl.u32 v9, $0x4;
	v6 =	vadd.s32 v17, v8;
	v8 =	vshrl.u32 v11, $0x7;
	v9 =	vld.idx.msk [tilespmem:v13+s9+$0x0], $0xffff;
	[tilespmem:s22+$0x20] =	vst v2  }
0xef: {  	v2 =	vand.u32 $0x7, v3;
	v3 =	vshll.u32 v6, $0x3;
	v6 =	vmul.u32 $0x3E8, v8;
	v8 =	vld.idx.msk [tilespmem:v12+s9+$0x0], $0xffff  }
0xf0: {  	v4 =	vor.u32 v5, v4;
	v2 =	vor.u32 v2, v3;
	v3 =	vshrl.u32 v11, $0x4  }
0xf1: {  	v11 =	vld [tilespmem:$0x70];
	v3 =	vand.u32 $0x7, v3;
	v5 =	vadd.s32 v14, v6;
	v6 =	vshrl.u32 v10, $0x7  }
0xf2: {  	v12 =	vld [tilespmem:$0x70];
	v10 =	vshrl.u32 v10, $0x4;
	v5 =	vshll.u32 v5, $0x3;
	v6 =	vmul.u32 $0x3E8, v6  }
0xf3: {  	v3 =	vor.u32 v3, v5;
	v5 =	vand.u32 $0x7, v10;
	v10 =	vshrl.u32 v9, $0x7  }
0xf4: {  	v6 =	vadd.s32 v7, v6;
	v7 =	vmul.u32 $0x3E8, v10;
	v10 =	vshrl.u32 v8, $0x7  }
0xf5: {  	[tilespmem:s20+$0xFFFFFFF0] =	vst v4;
	v4 =	vshll.u32 v6, $0x3;
	v6 =	vshrl.u32 v9, $0x4;
	v9 =	vmul.u32 $0x3E8, v10  }
0xf6: {  	[tilespmem:s20+$0x30] =	vst v2;
	v2 =	vor.u32 v5, v4;
	v4 =	vand.u32 $0x7, v6;
	v5 =	vadd.s32 v11, v7  }
0xf7: {  	[tilespmem:s21+$0xFFFFFFF0] =	vst v3;
	v3 =	vshll.u32 v5, $0x3;
	v5 =	vshrl.u32 v8, $0x4;
	v6 =	vadd.s32 v12, v9  }
0xf8: {  	[tilespmem:s21+$0x30] =	vst v2;
	v2 =	vor.u32 v4, v3;
	v3 =	vand.u32 $0x7, v5;
	v4 =	vshll.u32 v6, $0x3  }
0xf9: {  	s13 =	simm.s32 $0x1;
	[tilespmem:s22+$0xFFFFFFF0] =	vst v2;
	v2 =	vor.u32 v3, v4  }
0xfa: {  	s17 =	simm.s32 $0x2600;
	[tilespmem:s22+$0x30] =	vst v2;
	v2 =	vadd.s32 s13, v0  }
0xfb: {  	[tilespmem:s14], [sflag:$0x2] =	stream.indirect.gather [hbm4b:s3+s10], $0x10, s17, s10, $0xb8;
	[tilespmem:$0x1DB80] =	vst v63  }
0xfc: {  	_ =	swait.ge [sflag:s15], $0xC800  }
0xfd: {  	[sflag:s15] =	ssyncset.done $0x0  }
0xfe: {  	[sflag:s15] =	ssyncadd.s32 $0xFFFF3800  }
0xff: {  	v2 =	vld.idx.msk [tilespmem:v2+s9+$0x0], $0xffff;
	_ =	sdelay $0x1  }
0x100: {  	s18 =	simm.s32 $0x40  }
0x101: {  	v3 =	vmov s18  }
0x102: {  	v3 =	vshll.u32 v3, $0x4  }
0x103: {  	v3 =	vor.u32 v1, v3;
	v2 =	vand.u32 $0xF, v2  }
0x104: {  	s20 =	simm.s32 $0x0;
	v2 =	vor.u32 v3, v2  }
0x105: {  	v3 =	vadd.s32 s20, v0  }
0x106: {  	s21 =	simm.s32 $0x3  }
0x107: {  	v4 =	vadd.s32 s21, v0  }
0x108: {  	s24 =	simm.s32 $0x60;
	s31 =	simm.s32 $0x70  }
0x109: {  	s25 =	simm.s32 $0x321;
	s26 =	simm.s32 $0x20;
	v10 =	vmov s31;
	v7 =	vmov s24;
	v2 =	vld.idx.msk [tilespmem:v2+s12+$0x0], $0xffff  }
0x10a: {  	v23 =	vshll.u32 v10, $0x4;
	v8 =	vadd.s32 s25, v0;
	v9 =	vmov s26;
	v3 =	vld.idx.msk [tilespmem:v3+s9+$0x0], $0xffff  }
0x10b: {  	s30 =	simm.s32 $0x961;
	v7 =	vshll.u32 v7, $0x4;
	s25 =	simm.s32 $0xF0;
	v11 =	vshll.u32 v9, $0x4;
	v9 =	vmov s20  }
0x10c: {  	s31 =	simm.s32 $0x140;
	v12 =	vadd.s32 s30, v0;
	v16 =	vmov s25;
	v9 =	vshll.u32 v9, $0x4;
	s18 =	simm.s32 $0x90;
	v4 =	vld.idx.msk [tilespmem:v4+s9+$0x0], $0xffff  }
0x10d: {  	v20 =	vshll.u32 v16, $0x4;
	v16 =	vmov s31;
	s31 =	simm.s32 $0x7;
	s22 =	simm.s32 $0x50;
	v10 =	vmov s18;
	s10 =	simm.s32 $0xC0  }
0x10e: {  	v29 =	vadd.s32 s31, v0;
	v5 =	vmov s22;
	v13 =	vmov s10;
	s20 =	simm.s32 $0x1C300  }
0x10f: {  	s22 =	simm.s32 $0x5;
	v13 =	vshll.u32 v13, $0x4;
	[tilespmem:s20+$0x0] =	vst v2;
	v2 =	vor.u32 v1, v9;
	v3 =	vand.u32 $0xF, v3  }
0x110: {  	v9 =	vor.u32 v1, v13;
	v13 =	vshll.u32 v10, $0x4;
	v10 =	vadd.s32 s22, v0  }
0x111: {  	s23 =	simm.s32 $0x10;
	v23 =	vor.u32 v1, v23;
	v4 =	vand.u32 $0xF, v4;
	v8 =	vld.idx.msk [tilespmem:v8+s9+$0x0], $0xffff;
	v2 =	vor.u32 v2, v3  }
0x112: {  	v6 =	vmov s23;
	s23 =	simm.s32 $0x963;
	v7 =	vor.u32 v1, v7;
	s13 =	simm.s32 $0x2;
	v4 =	vor.u32 v9, v4  }
0x113: {  	v6 =	vshll.u32 v6, $0x4;
	s21 =	simm.s32 $0xE0;
	v19 =	vadd.s32 s23, v0;
	v9 =	vadd.s32 s13, v0  }
0x114: {  	s24 =	simm.s32 $0xA0;
	v11 =	vor.u32 v1, v11;
	v14 =	vmov s21;
	v6 =	vor.u32 v1, v6;
	v29 =	vld.idx.msk [tilespmem:v29+s9+$0x0], $0xffff  }
0x115: {  	s21 =	simm.s32 $0x110;
	v15 =	vshll.u32 v14, $0x4;
	v14 =	vmov s24;
	v5 =	vshll.u32 v5, $0x4;
	v10 =	vld.idx.msk [tilespmem:v10+s9+$0x0], $0xffff  }
0x116: {  	s18 =	simm.s32 $0x80;
	v18 =	vmov s21;
	v5 =	vor.u32 v1, v5;
	v8 =	vand.u32 $0xF, v8;
	v2 =	vld.idx.msk [tilespmem:v2+s12+$0x0], $0xffff  }
0x117: {  	s26 =	simm.s32 $0x323;
	s30 =	simm.s32 $0xB0;
	v26 =	vmov s18;
	v21 =	vshll.u32 v14, $0x4;
	v4 =	vld.idx.msk [tilespmem:v4+s12+$0x0], $0xffff;
	v5 =	vor.u32 v5, v8  }
0x118: {  	s10 =	simm.s32 $0x320;
	v14 =	vmov s30;
	v25 =	vshll.u32 v18, $0x4;
	v8 =	vld.idx.msk [tilespmem:v9+s9+$0x0], $0xffff;
	v9 =	vadd.s32 s26, v0  }
0x119: {  	s23 =	simm.s32 $0x641;
	v17 =	vadd.s32 s10, v0;
	v22 =	vshll.u32 v14, $0x4;
	v14 =	vshll.u32 v16, $0x4  }
0x11a: {  	s11 =	simm.s32 $0x30;
	v18 =	vadd.s32 s23, v0;
	v43 =	vor.u32 v1, v15;
	v14 =	vor.u32 v1, v14;
	s22 =	simm.s32 $0x160  }
0x11b: {  	s21 =	simm.s32 $0x1C400;
	v29 =	vand.u32 $0xF, v29;
	v3 =	vmov s11;
	v27 =	vmov s22  }
0x11c: {  	s17 =	simm.s32 $0xD0;
	v13 =	vor.u32 v1, v13;
	v24 =	vshll.u32 v3, $0x4;
	v10 =	vand.u32 $0xF, v10;
	[tilespmem:s21+$0x0] =	vst v4;
	v5 =	vld.idx.msk [tilespmem:v5+s12+$0x0], $0xffff  }
0x11d: {  	v3 =	vmov s17;
	v4 =	vshll.u32 v26, $0x4;
	[tilespmem:s20+$0xFFFFFF80] =	vst v2;
	v10 =	vor.u32 v14, v10;
	v9 =	vld.idx.msk [tilespmem:v9+s9+$0x0], $0xffff  }
0x11e: {  	s17 =	simm.s32 $0x150;
	v3 =	vshll.u32 v3, $0x4;
	v2 =	vor.u32 v1, v4;
	v8 =	vand.u32 $0xF, v8;
	v17 =	vld.idx.msk [tilespmem:v17+s9+$0x0], $0xffff  }
0x11f: {  	v16 =	vmov s17;
	s17 =	simm.s32 $0x325;
	v26 =	vshll.u32 v27, $0x4;
	v27 =	vor.u32 v2, v8  }
0x120: {  	s24 =	simm.s32 $0x965;
	s30 =	simm.s32 $0x130;
	v16 =	vshll.u32 v16, $0x4;
	v28 =	vor.u32 v1, v3;
	v34 =	vadd.s32 s17, v0  }
0x121: {  	s25 =	simm.s32 $0x120;
	s23 =	simm.s32 $0x4;
	v16 =	vor.u32 v1, v16;
	v14 =	vmov s30;
	v4 =	vadd.s32 s24, v0  }
0x122: {  	v3 =	vshll.u32 v14, $0x4;
	v2 =	vmov s25;
	v31 =	vld.idx.msk [tilespmem:v10+s12+$0x0], $0xffff;
	[tilespmem:s20+$0x10] =	vst v5;
	v5 =	vadd.s32 s23, v0  }
0x123: {  	s1 =	simm.s32 $0x1C0;
	s10 =	simm.s32 $0x322;
	v8 =	vshll.u32 v2, $0x4;
	v9 =	vand.u32 $0xF, v9;
	v14 =	vand.u32 $0xF, v17;
	v18 =	vld.idx.msk [tilespmem:v18+s9+$0x0], $0xffff  }
0x124: {  	s11 =	simm.s32 $0x1D0;
	v17 =	vld.idx.msk [tilespmem:v27+s12+$0x0], $0xffff;
	v27 =	vor.u32 v28, v9;
	v9 =	vmov s1;
	v28 =	vadd.s32 s10, v0  }
0x125: {  	s22 =	simm.s32 $0x967;
	v32 =	vor.u32 v6, v14;
	v6 =	vmov s11;
	v30 =	vshll.u32 v9, $0x4  }
0x126: {  	s18 =	simm.s32 $0x1E0;
	s13 =	simm.s32 $0x190;
	v35 =	vshll.u32 v6, $0x4;
	v6 =	vadd.s32 s22, v0;
	s22 =	simm.s32 $0x1C500;
	v30 =	vor.u32 v1, v30  }
0x127: {  	v9 =	vmov s13;
	[tilespmem:s22+$0x0] =	vst v31;
	v29 =	vor.u32 v30, v29;
	v33 =	vld.idx.msk [tilespmem:v5+s9+$0x0], $0xffff;
	v5 =	vmov s18  }
0x128: {  	s26 =	simm.s32 $0x170;
	s11 =	simm.s32 $0x9;
	v14 =	vshll.u32 v9, $0x4;
	v34 =	vld.idx.msk [tilespmem:v34+s9+$0x0], $0xffff;
	v9 =	vshll.u32 v5, $0x4;
	v5 =	vand.u32 $0xF, v18  }
0x129: {  	s30 =	simm.s32 $0x643;
	s24 =	simm.s32 $0x1A0;
	v2 =	vmov s26;
	s13 =	simm.s32 $0x240;
	v44 =	vadd.s32 s11, v0;
	[tilespmem:s21+$0xFFFFFF80] =	vst v17;
	v17 =	vld.idx.msk [tilespmem:v27+s12+$0x0], $0xffff;
	v7 =	vor.u32 v7, v5  }
0x12a: {  	s25 =	simm.s32 $0x1F0;
	s26 =	simm.s32 $0x100;
	v15 =	vmov s13;
	v31 =	vadd.s32 s30, v0;
	v5 =	vmov s24;
	v27 =	vld.idx.msk [tilespmem:v28+s9+$0x0], $0xffff  }
0x12b: {  	s31 =	simm.s32 $0x640;
	v18 =	vmov s25;
	v32 =	vld.idx.msk [tilespmem:v32+s12+$0x0], $0xffff;
	v28 =	vmov s26;
	v10 =	vshll.u32 v5, $0x4  }
0x12c: {  	v5 =	vshll.u32 v18, $0x4;
	v18 =	vadd.s32 s31, v0;
	v28 =	vshll.u32 v28, $0x4;
	v29 =	vld.idx.msk [tilespmem:v29+s12+$0x0], $0xffff  }
0x12d: {  	s17 =	simm.s32 $0x250;
	v37 =	vshll.u32 v15, $0x4;
	s26 =	simm.s32 $0x324;
	v28 =	vor.u32 v1, v28;
	v33 =	vand.u32 $0xF, v33  }
0x12e: {  	v15 =	vmov s17;
	s25 =	simm.s32 $0x6;
	v46 =	vadd.s32 s26, v0;
	v28 =	vor.u32 v28, v33;
	[tilespmem:s21+$0x10] =	vst v17;
	v42 =	vld.idx.msk [tilespmem:v7+s12+$0x0], $0xffff  }
0x12f: {  	s24 =	simm.s32 $0x260;
	v17 =	vand.u32 $0xF, v34;
	v27 =	vand.u32 $0xF, v27;
	v30 =	vld.idx.msk [tilespmem:v31+s9+$0x0], $0xffff;
	v31 =	vadd.s32 s25, v0  }
0x130: {  	s26 =	simm.s32 $0x645;
	[tilespmem:s20+$0xFFFFFF90] =	vst v32;
	v38 =	vor.u32 v16, v17;
	v17 =	vshll.u32 v15, $0x4;
	v15 =	vmov s24;
	s24 =	simm.s32 $0x1C600  }
0x131: {  	v20 =	vor.u32 v1, v20;
	v45 =	vld.idx.msk [tilespmem:v18+s9+$0x0], $0xffff;
	v13 =	vor.u32 v13, v27;
	[tilespmem:s24+$0x0] =	vst v29;
	v29 =	vadd.s32 s26, v0;
	s26 =	simm.s32 $0x8  }
0x132: {  	v25 =	vor.u32 v1, v25;
	v60 =	vor.u32 v1, v21;
	s18 =	simm.s32 $0x210;
	v32 =	vld.idx.msk [tilespmem:v44+s9+$0x0], $0xffff;
	v53 =	vadd.s32 s26, v0  }
0x133: {  	v22 =	vor.u32 v1, v22;
	v51 =	vor.u32 v1, v24;
	v16 =	vmov s18;
	v28 =	vld.idx.msk [tilespmem:v28+s12+$0x0], $0xffff  }
0x134: {  	v54 =	vor.u32 v1, v26;
	s10 =	simm.s32 $0x1B0;
	s31 =	simm.s32 $0x327;
	v18 =	vshll.u32 v16, $0x4;
	[tilespmem:s20+$0x20] =	vst v42;
	v16 =	vand.u32 $0xF, v30;
	v30 =	vld.idx.msk [tilespmem:v31+s9+$0x0], $0xffff  }
0x135: {  	v2 =	vshll.u32 v2, $0x4;
	v36 =	vmov s10;
	v31 =	vadd.s32 s31, v0;
	v27 =	vld.idx.msk [tilespmem:v12+s9+$0x0], $0xffff  }
0x136: {  	s1 =	simm.s32 $0xB;
	s13 =	simm.s32 $0x270;
	v7 =	vshll.u32 v36, $0x4;
	v36 =	vor.u32 v43, v16;
	v34 =	vand.u32 $0xF, v45;
	v40 =	vld.idx.msk [tilespmem:v13+s12+$0x0], $0xffff  }
0x137: {  	v55 =	vadd.s32 s1, v0;
	s17 =	simm.s32 $0x180;
	v39 =	vmov s13;
	s18 =	simm.s32 $0x642;
	v34 =	vor.u32 v11, v34;
	v57 =	vld.idx.msk [tilespmem:v53+s9+$0x0], $0xffff  }
0x138: {  	v35 =	vor.u32 v1, v35;
	v48 =	vmov s17;
	v47 =	vadd.s32 s18, v0;
	s18 =	simm.s32 $0x326;
	[tilespmem:s22+$0xFFFFFF80] =	vst v28;
	v28 =	vld.idx.msk [tilespmem:v38+s12+$0x0], $0xffff  }
0x139: {  	v56 =	vadd.s32 s18, v0;
	v32 =	vand.u32 $0xF, v32;
	v13 =	vshll.u32 v48, $0x4;
	v33 =	vld.idx.msk [tilespmem:v46+s9+$0x0], $0xffff  }
0x13a: {  	s13 =	simm.s32 $0x290;
	v13 =	vor.u32 v1, v13;
	v30 =	vand.u32 $0xF, v30;
	v49 =	vand.u32 $0xF, v27;
	v27 =	vld.idx.msk [tilespmem:v31+s9+$0x0], $0xffff  }
0x13b: {  	s10 =	simm.s32 $0x220;
	s30 =	simm.s32 $0x969;
	v42 =	vmov s13;
	v31 =	vor.u32 v1, v37;
	v30 =	vor.u32 v13, v30;
	v24 =	vld.idx.msk [tilespmem:v36+s12+$0x0], $0xffff  }
0x13c: {  	s17 =	simm.s32 $0x2E0;
	s31 =	simm.s32 $0x960;
	v12 =	vadd.s32 s30, v0;
	v16 =	vmov s10;
	[tilespmem:s21+$0xFFFFFF90] =	vst v40;
	v34 =	vld.idx.msk [tilespmem:v34+s12+$0x0], $0xffff;
	v31 =	vor.u32 v31, v32  }
0x13d: {  	v15 =	vshll.u32 v15, $0x4;
	v52 =	vadd.s32 s31, v0;
	v43 =	vmov s17;
	v38 =	vld.idx.msk [tilespmem:v47+s9+$0x0], $0xffff;
	[tilespmem:s22+$0x10] =	vst v28  }
0x13e: {  	s30 =	simm.s32 $0x230;
	v16 =	vshll.u32 v16, $0x4;
	v11 =	vshll.u32 v39, $0x4;
	v28 =	vand.u32 $0xF, v33;
	v29 =	vld.idx.msk [tilespmem:v29+s9+$0x0], $0xffff  }
0x13f: {  	s10 =	simm.s32 $0x2C0;
	s31 =	simm.s32 $0x329;
	v50 =	vmov s30;
	v40 =	vld.idx.msk [tilespmem:v55+s9+$0x0], $0xffff;
	v27 =	vand.u32 $0xF, v27;
	v28 =	vor.u32 v25, v28  }
0x140: {  	s11 =	simm.s32 $0x2D0;
	v26 =	vmov s10;
	v58 =	vadd.s32 s31, v0;
	s31 =	simm.s32 $0x2B0;
	v30 =	vld.idx.msk [tilespmem:v30+s12+$0x0], $0xffff;
	v35 =	vor.u32 v35, v27  }
0x141: {  	v41 =	vshll.u32 v26, $0x4;
	v26 =	vmov s11;
	v62 =	vmov s31;
	v31 =	vld.idx.msk [tilespmem:v31+s12+$0x0], $0xffff;
	[tilespmem:s20+$0xFFFFFFA0] =	vst v34  }
0x142: {  	s18 =	simm.s32 $0x200;
	v13 =	vshll.u32 v50, $0x4;
	v45 =	vor.u32 v23, v49;
	[tilespmem:s21+$0x20] =	vst v24;
	v38 =	vand.u32 $0xF, v38;
	v33 =	vld.idx.msk [tilespmem:v52+s9+$0x0], $0xffff  }
0x143: {  	v23 =	vmov s18;
	v38 =	vor.u32 v60, v38;
	v25 =	vand.u32 $0xF, v29;
	v29 =	vld.idx.msk [tilespmem:v19+s9+$0x0], $0xffff  }
0x144: {  	s30 =	simm.s32 $0x96B;
	s10 =	simm.s32 $0x2A0;
	v61 =	vand.u32 $0xF, v57;
	v24 =	vshll.u32 v43, $0x4;
	v63 =	vand.u32 $0xF, v40;
	v37 =	vld.idx.msk [tilespmem:v28+s12+$0x0], $0xffff  }
0x145: {  	s0 =	simm.s32 $0x1C700;
	v19 =	vadd.s32 s30, v0;
	s30 =	simm.s32 $0x647;
	v59 =	vor.u32 v54, v25;
	v25 =	vmov s10;
	[tilespmem:s24+$0xFFFFFF80] =	vst v30;
	v44 =	vld.idx.msk [tilespmem:v35+s12+$0x0], $0xffff  }
0x146: {  	s13 =	simm.s32 $0x2F0;
	s17 =	simm.s32 $0x644;
	v27 =	vshll.u32 v26, $0x4;
	v46 =	vadd.s32 s30, v0;
	v21 =	vshll.u32 v25, $0x4;
	v34 =	vld.idx.msk [tilespmem:v56+s9+$0x0], $0xffff;
	[tilespmem:s0+$0x0] =	vst v31  }
0x147: {  	v25 =	vmov s13;
	v35 =	vadd.s32 s17, v0;
	v28 =	vand.u32 $0xF, v33;
	v36 =	vld.idx.msk [tilespmem:v58+s9+$0x0], $0xffff  }
0x148: {  	v31 =	vshll.u32 v23, $0x4;
	v32 =	vld.idx.msk [tilespmem:v38+s12+$0x0], $0xffff;
	v30 =	vor.u32 v51, v28;
	v28 =	vor.u32 v1, v41  }
0x149: {  	v23 =	vand.u32 $0xF, v29;
	v29 =	vor.u32 v1, v31;
	v39 =	vor.u32 v28, v63;
	v28 =	vld.idx.msk [tilespmem:v45+s12+$0x0], $0xffff  }
0x14a: {  	s29 =	simm.s32 $0xA;
	s28 =	simm.s32 $0x1C700;
	v26 =	vshll.u32 v42, $0x4;
	s17 =	simm.s32 $0x962;
	v25 =	vshll.u32 v25, $0x4;
	v31 =	vld.idx.msk [tilespmem:v59+s12+$0x0], $0xffff;
	v40 =	vor.u32 v29, v61;
	[tilespmem:s24+$0x10] =	vst v44  }
0x14b: {  	s1 =	simm.s32 $0x280;
	s11 =	simm.s32 $0x300;
	s13 =	simm.s32 $0xC;
	v33 =	vadd.s32 s17, v0;
	v29 =	vshll.u32 v62, $0x4;
	v38 =	vand.u32 $0xF, v34;
	v34 =	vld.idx.msk [tilespmem:v46+s9+$0x0], $0xffff  }
.LBB2_6:
0x14c: {  	s17 =	sadd.s32 $0x1, s13;
	v41 =	vadd.s32 s29, v0;
	v42 =	vor.u32 v1, v17;
	v43 =	vor.u32 v1, v9  }
0x14d: {  	s18 =	sadd.s32 $0x40, s11;
	[tilespmem:s22+$0xFFFFFF90] =	vst v37;
	v30 =	vld.idx.msk [tilespmem:v30+s12+$0x0], $0xffff;
	v17 =	vmovc v27;
	v9 =	vmovc v15;
	v15 =	vmov v24;
	v44 =	vmov v11;
	v11 =	vmov v25;
	s30 =	smov.u32 s13;
	s31 =	sadd.s32 $0x2, s13  }
0x14e: {  	p0 =	slt.u32 s13, $0x30;
	v27 =	vand.u32 $0xF, v36;
	v45 =	vmovc v3;
	v3 =	vmovc v7;
	v25 =	vadd.s32 s17, v0;
	v24 =	vmov s18;
	s17 =	sadd.s32 $0x50, s11;
	v35 =	vld.idx.msk [tilespmem:v35+s9+$0x0], $0xffff  }
0x14f: {  	s13 =	sadd.s32 $0x10, s11;
	v7 =	vmovc v13;
	v13 =	vmovc v29;
	v37 =	vor.u32 v42, v27;
	v46 =	vshll.u32 v24, $0x4;
	v24 =	vmov s17;
	s17 =	sadd.s32 $0x60, s11;
	v36 =	vld.idx.msk [tilespmem:v40+s12+$0x0], $0xffff;
	[tilespmem:s22+$0x20] =	vst v31  }
0x150: {  	v29 =	vmov s13;
	s13 =	sadd.s32 $0x320, s26;
	v27 =	vshll.u32 v24, $0x4;
	v24 =	vmov s17;
	v31 =	vld.idx.msk [tilespmem:v39+s12+$0x0], $0xffff;
	[tilespmem:s21+$0xFFFFFFA0] =	vst v32  }
0x151: {  	v29 =	vshll.u32 v29, $0x4;
	v32 =	vadd.s32 s13, v0;
	v39 =	vor.u32 v1, v14;
	v14 =	vmovc v18;
	v33 =	vld.idx.msk [tilespmem:v33+s9+$0x0], $0xffff;
	[tilespmem:s20+$0x30] =	vst v28  }
0x152: {  	s13 =	sadd.s32 $0x961, s30;
	s17 =	sadd.s32 $0x321, s29;
	v18 =	vmovc v26;
	v26 =	vmovc v29;
	v24 =	vshll.u32 v24, $0x4;
	v28 =	vor.u32 v39, v38;
	v34 =	vand.u32 $0xF, v34;
	v38 =	vld.idx.msk [tilespmem:v4+s9+$0x0], $0xffff  }
0x153: {  	s18 =	sadd.s32 $0x20, s11;
	v29 =	vadd.s32 s13, v0;
	v40 =	vadd.s32 s17, v0;
	v34 =	vor.u32 v43, v34;
	v4 =	vmovc v6;
	v39 =	vld.idx.msk [tilespmem:v41+s9+$0x0], $0xffff;
	[tilespmem:s20+$0xFFFFFFB0] =	vst v30;
	s20 =	smov.u32 s21;
	s21 =	smov.u32 s22  }
0x154: {  	s0 =	sadd.s32 $0x100, s0;
	v47 =	vor.u32 v1, v8;
	s13 =	sadd.s32 $0x70, s11;
	v6 =	vmovc v12;
	v12 =	vmovc v19;
	v30 =	vmov s18;
	s22 =	smov.u32 s24;
	v41 =	vld.idx.msk [tilespmem:v25+s9+$0x0], $0xffff;
	v25 =	vand.u32 $0xF, v35  }
0x155: {  	v8 =	vmovc v10;
	v19 =	vmovc v29;
	s24 =	smov.u32 s28;
	v30 =	vshll.u32 v30, $0x4;
	v35 =	vmov s13;
	s13 =	sadd.s32 $0x640, s25;
	[tilespmem:s28+$0xFFFFFF80] =	vst v36;
	v42 =	vld.idx.msk [tilespmem:v37+s12+$0x0], $0xffff;
	v43 =	vor.u32 v47, v25;
	s28 =	smov.u32 s0  }
0x156: {  	v20 =	vor.u32 v20, v23;
	v10 =	vmovc v16;
	v16 =	vmovc v21;
	s17 =	sadd.s32 $0x641, s26;
	v25 =	vshll.u32 v35, $0x4;
	v35 =	vadd.s32 s13, v0;
	v47 =	vld.idx.msk [tilespmem:v32+s9+$0x0], $0xffff  }
0x157: {  	v23 =	vmov s1;
	s1 =	smov.u32 s11;
	v48 =	vadd.s32 s17, v0;
	v21 =	vmovc v30;
	[tilespmem:s0+$0x0] =	vst v31;
	v37 =	vld.idx.msk [tilespmem:v28+s12+$0x0], $0xffff;
	v28 =	vand.u32 $0xF, v33  }
.Ltmp2:
0x158: {  	v29 =	vshll.u32 v23, $0x4;
	v23 =	vand.u32 $0xF, v38;
	v36 =	vld.idx.msk [tilespmem:v40+s9+$0x0], $0xffff;
	v30 =	vor.u32 v22, v28;
	(pc) =	sbr.rel @p0 .LBB2_6-.Ltmp2, $4  }
0x159: {  	s13 =	sadd.s32 $0x30, s11;
	v22 =	vor.u32 v1, v46;
	v28 =	vor.u32 v1, v29;
	v29 =	vand.u32 $0xF, v39;
	v31 =	vld.idx.msk [tilespmem:v34+s12+$0x0], $0xffff  }
0x15a: {  	s11 =	sadd.s32 $0x80, s11;
	v33 =	vmov s13;
	v34 =	vand.u32 $0xF, v41;
	v40 =	vor.u32 v28, v29;
	v32 =	vld.idx.msk [tilespmem:v43+s12+$0x0], $0xffff  }
0x15b: {  	s13 =	sadd.s32 $0x960, s23;
	s23 =	smov.u32 s25;
	s25 =	smov.u32 s26;
	v29 =	vshll.u32 v33, $0x4;
	v39 =	vor.u32 v22, v34;
	v22 =	vor.u32 v1, v45;
	[tilespmem:s24+$0x10] =	vst v42;
	v28 =	vld.idx.msk [tilespmem:v20+s12+$0x0], $0xffff  }
0x15c: {  	s26 =	smov.u32 s29;
	s29 =	smov.u32 s30;
	v33 =	vadd.s32 s13, v0;
	s13 =	smov.u32 s31;
	v38 =	vand.u32 $0xF, v47;
	v20 =	vor.u32 v1, v2;
	v2 =	vmovc v5;
	v5 =	vmovc v44;
	v34 =	vld.idx.msk [tilespmem:v48+s9+$0x0], $0xffff  }
0x15d: {  	v41 =	vadd.s32 s29, v0;
	_ =	sdelay $0x4  }
0x15e: {  	v41 =	vld.idx.msk [tilespmem:v41+s9+$0x0], $0xffff;
	_ =	sdelay $0x2  }
0x15f: {  	v42 =	vmov s1  }
0x160: {  	v42 =	vshll.u32 v42, $0x4  }
0x161: {  	v42 =	vor.u32 v1, v42;
	v41 =	vand.u32 $0xF, v41  }
0x162: {  	v41 =	vor.u32 v42, v41;
	_ =	sdelay $0x1  }
0x163: {  	v40 =	vld.idx.msk [tilespmem:v40+s12+$0x0], $0xffff;
	s10 =	sadd.s32 $0x320, s26  }
0x164: {  	v39 =	vld.idx.msk [tilespmem:v39+s12+$0x0], $0xffff;
	s11 =	sadd.s32 $0x321, s29;
	v60 =	vadd.s32 s10, v0  }
0x165: {  	v43 =	vadd.s32 s11, v0  }
0x166: {  	s13 =	sadd.s32 $0x320, s29;
	v41 =	vld.idx.msk [tilespmem:v41+s12+$0x0], $0xffff  }
0x167: {  	v44 =	vadd.s32 s13, v0  }
0x168: {  	s0 =	sadd.s32 $0x100, s0;
	[tilespmem:s28+$0xFFFFFF80] =	vst v40  }
0x169: {  	[tilespmem:s0+$0x0] =	vst v39;
	v61 =	vld.idx.msk [tilespmem:v60+s9+$0x0], $0xffff  }
0x16a: {  	v17 =	vor.u32 v1, v17;
	v36 =	vand.u32 $0xF, v36;
	v62 =	vld.idx.msk [tilespmem:v43+s9+$0x0], $0xffff  }
0x16b: {  	v17 =	vor.u32 v17, v36;
	[tilespmem:s0+$0xFFFFFF80] =	vst v41  }
0x16c: {  	v14 =	vor.u32 v1, v14;
	v63 =	vld.idx.msk [tilespmem:v44+s9+$0x0], $0xffff  }
0x16d: {  	v14 =	vor.u32 v14, v38  }
0x16e: {  	v18 =	vor.u32 v1, v18;
	v41 =	vand.u32 $0xF, v61  }
0x16f: {  	v27 =	vor.u32 v1, v27;
	v42 =	vand.u32 $0xF, v62;
	v18 =	vor.u32 v18, v41  }
0x170: {  	[tilespmem:s22+$0xFFFFFF90] =	vst v37;
	s11 =	sadd.s32 $0x641, s26;
	v17 =	vld.idx.msk [tilespmem:v17+s12+$0x0], $0xffff;
	v27 =	vor.u32 v27, v42  }
0x171: {  	v26 =	vor.u32 v1, v26;
	v35 =	vld.idx.msk [tilespmem:v35+s9+$0x0], $0xffff;
	v45 =	vadd.s32 s11, v0;
	v43 =	vand.u32 $0xF, v63  }
0x172: {  	s17 =	sadd.s32 $0x640, s25;
	v14 =	vld.idx.msk [tilespmem:v14+s12+$0x0], $0xffff;
	v26 =	vor.u32 v26, v43  }
0x173: {  	v9 =	vor.u32 v1, v9;
	v49 =	vand.u32 $0xF, v34;
	v44 =	vadd.s32 s17, v0  }
0x174: {  	s18 =	sadd.s32 $0x640, s26;
	v9 =	vor.u32 v9, v49;
	v18 =	vld.idx.msk [tilespmem:v18+s12+$0x0], $0xffff  }
0x175: {  	s10 =	sadd.s32 $0x641, s29;
	v46 =	vadd.s32 s18, v0;
	[tilespmem:s28+$0x10] =	vst v17;
	v27 =	vld.idx.msk [tilespmem:v27+s12+$0x0], $0xffff  }
0x176: {  	v8 =	vor.u32 v1, v8;
	v47 =	vadd.s32 s10, v0;
	v35 =	vand.u32 $0xF, v35;
	v48 =	vld.idx.msk [tilespmem:v45+s9+$0x0], $0xffff  }
0x177: {  	s11 =	sadd.s32 $0x640, s29;
	v8 =	vor.u32 v8, v35;
	[tilespmem:s24+$0xFFFFFF90] =	vst v14;
	v26 =	vld.idx.msk [tilespmem:v26+s12+$0x0], $0xffff  }
0x178: {  	v14 =	vadd.s32 s11, v0;
	v17 =	vld.idx.msk [tilespmem:v44+s9+$0x0], $0xffff  }
0x179: {  	v9 =	vld.idx.msk [tilespmem:v9+s12+$0x0], $0xffff;
	[tilespmem:s28+$0xFFFFFF90] =	vst v18  }
0x17a: {  	[tilespmem:s0+$0x10] =	vst v27;
	v18 =	vld.idx.msk [tilespmem:v46+s9+$0x0], $0xffff  }
0x17b: {  	v50 =	vld.idx.msk [tilespmem:v47+s9+$0x0], $0xffff  }
0x17c: {  	v15 =	vor.u32 v1, v15;
	v8 =	vld.idx.msk [tilespmem:v8+s12+$0x0], $0xffff;
	v52 =	vand.u32 $0xF, v48;
	[tilespmem:s0+$0xFFFFFF90] =	vst v26  }
0x17d: {  	v10 =	vor.u32 v1, v10;
	v15 =	vor.u32 v15, v52;
	v17 =	vand.u32 $0xF, v17;
	v14 =	vld.idx.msk [tilespmem:v14+s9+$0x0], $0xffff  }
0x17e: {  	s13 =	sadd.s32 $0x960, s23;
	v10 =	vor.u32 v10, v17  }
0x17f: {  	v16 =	vor.u32 v1, v16;
	[tilespmem:s22+$0x20] =	vst v31;
	v51 =	vadd.s32 s13, v0;
	v18 =	vand.u32 $0xF, v18  }
0x180: {  	v24 =	vor.u32 v1, v24;
	v4 =	vld.idx.msk [tilespmem:v4+s9+$0x0], $0xffff;
	[tilespmem:s24+$0x20] =	vst v9;
	v53 =	vand.u32 $0xF, v50;
	v16 =	vor.u32 v16, v18  }
0x181: {  	v6 =	vld.idx.msk [tilespmem:v6+s9+$0x0], $0xffff;
	[tilespmem:s22+$0xFFFFFFA0] =	vst v8;
	v8 =	vor.u32 v24, v53  }
0x182: {  	v15 =	vld.idx.msk [tilespmem:v15+s12+$0x0], $0xffff;
	v18 =	vor.u32 v1, v21;
	v14 =	vand.u32 $0xF, v14  }
0x183: {  	v10 =	vld.idx.msk [tilespmem:v10+s12+$0x0], $0xffff;
	v14 =	vor.u32 v18, v14  }
0x184: {  	s17 =	sadd.s32 $0x960, s25;
	v21 =	vld.idx.msk [tilespmem:v51+s9+$0x0], $0xffff  }
0x185: {  	s18 =	sadd.s32 $0x960, s26;
	v16 =	vld.idx.msk [tilespmem:v16+s12+$0x0], $0xffff;
	v18 =	vadd.s32 s17, v0  }
0x186: {  	[tilespmem:s21+$0xFFFFFFA0] =	vst v32;
	v54 =	vadd.s32 s18, v0;
	v8 =	vld.idx.msk [tilespmem:v8+s12+$0x0], $0xffff  }
0x187: {  	v17 =	vld.idx.msk [tilespmem:v33+s9+$0x0], $0xffff  }
0x188: {  	s23 =	sadd.s32 $0x960, s29;
	[tilespmem:s28+$0x20] =	vst v15;
	v9 =	vld.idx.msk [tilespmem:v14+s12+$0x0], $0xffff  }
0x189: {  	v2 =	vor.u32 v1, v2;
	v4 =	vand.u32 $0xF, v4;
	[tilespmem:s24+$0xFFFFFFA0] =	vst v10;
	v10 =	vadd.s32 s23, v0  }
0x18a: {  	v3 =	vor.u32 v1, v3;
	v2 =	vor.u32 v2, v4;
	v4 =	vand.u32 $0xF, v21;
	[tilespmem:s28+$0xFFFFFFA0] =	vst v16;
	v14 =	vld.idx.msk [tilespmem:v18+s9+$0x0], $0xffff  }
0x18b: {  	v6 =	vand.u32 $0xF, v6;
	[tilespmem:s0+$0x20] =	vst v8;
	v3 =	vor.u32 v3, v4;
	v4 =	vor.u32 v1, v5;
	v8 =	vld.idx.msk [tilespmem:v54+s9+$0x0], $0xffff  }
0x18c: {  	v12 =	vld.idx.msk [tilespmem:v12+s9+$0x0], $0xffff;
	v17 =	vand.u32 $0xF, v17;
	v4 =	vor.u32 v4, v6  }
0x18d: {  	v16 =	vor.u32 v22, v17;
	v17 =	vld.idx.msk [tilespmem:v19+s9+$0x0], $0xffff;
	[tilespmem:s0+$0xFFFFFFA0] =	vst v9  }
0x18e: {  	v15 =	vor.u32 v20, v23;
	v5 =	vld.idx.msk [tilespmem:v10+s9+$0x0], $0xffff  }
0x18f: {  	v7 =	vor.u32 v1, v7;
	v2 =	vld.idx.msk [tilespmem:v2+s12+$0x0], $0xffff;
	v6 =	vand.u32 $0xF, v14  }
0x190: {  	v13 =	vor.u32 v1, v13;
	v3 =	vld.idx.msk [tilespmem:v3+s12+$0x0], $0xffff;
	v8 =	vand.u32 $0xF, v8;
	v6 =	vor.u32 v7, v6  }
0x191: {  	v12 =	vand.u32 $0xF, v12;
	v4 =	vld.idx.msk [tilespmem:v4+s12+$0x0], $0xffff;
	v7 =	vor.u32 v1, v11;
	v8 =	vor.u32 v13, v8  }
0x192: {  	v9 =	vld.idx.msk [tilespmem:v30+s12+$0x0], $0xffff;
	v13 =	vor.u32 v1, v25;
	v7 =	vor.u32 v7, v12;
	v12 =	vand.u32 $0xF, v17  }
0x193: {  	[tilespmem:s20+$0x30] =	vst v28;
	v14 =	vor.u32 v1, v29;
	v10 =	vld.idx.msk [tilespmem:v15+s12+$0x0], $0xffff;
	v12 =	vor.u32 v13, v12;
	v5 =	vand.u32 $0xF, v5  }
0x194: {  	[tilespmem:s22+$0x30] =	vst v2;
	v11 =	vld.idx.msk [tilespmem:v16+s12+$0x0], $0xffff;
	v5 =	vor.u32 v14, v5  }
0x195: {  	[tilespmem:s22+$0xFFFFFFB0] =	vst v3;
	v6 =	vld.idx.msk [tilespmem:v6+s12+$0x0], $0xffff  }
0x196: {  	[tilespmem:s24+$0x30] =	vst v4;
	v2 =	vld.idx.msk [tilespmem:v8+s12+$0x0], $0xffff  }
0x197: {  	[tilespmem:s20+$0xFFFFFFB0] =	vst v9;
	v7 =	vld.idx.msk [tilespmem:v7+s12+$0x0], $0xffff  }
0x198: {  	[tilespmem:s21+$0x30] =	vst v10;
	v3 =	vld.idx.msk [tilespmem:v12+s12+$0x0], $0xffff  }
0x199: {  	[tilespmem:s21+$0xFFFFFFB0] =	vst v11;
	v4 =	vld.idx.msk [tilespmem:v5+s12+$0x0], $0xffff  }
0x19a: {  	[tilespmem:s24+$0xFFFFFFB0] =	vst v6  }
0x19b: {  	[tilespmem:s28+$0xFFFFFFB0] =	vst v2  }
0x19c: {  	s25 =	simm.s32 $0xC81;
	[tilespmem:s28+$0x30] =	vst v7  }
0x19d: {  	v2 =	vadd.s32 s25, v0;
	[tilespmem:s0+$0x30] =	vst v3  }
0x19e: {  	[tilespmem:s0+$0xFFFFFFB0] =	vst v4  }
0x19f: {  	s26 =	simm.s32 $0xC80;
	_ =	swait.ge [sflag:s16], $0xC800  }
0x1a0: {  	v3 =	vadd.s32 s26, v0;
	[sflag:s16] =	ssyncset.done $0x0  }
0x1a1: {  	[sflag:s16] =	ssyncadd.s32 $0xFFFF3800  }
0x1a2: {  	v2 =	vld.idx.msk [tilespmem:v2+s9+$0x0], $0xffff;
	_ =	sdelay $0x1  }
0x1a3: {  	s1 =	simm.s32 $0x40  }
0x1a4: {  	v4 =	vmov s1;
	v3 =	vld.idx.msk [tilespmem:v3+s9+$0x0], $0xffff  }
0x1a5: {  	v4 =	vshll.u32 v4, $0x4  }
0x1a6: {  	s10 =	simm.s32 $0x0;
	v4 =	vor.u32 v1, v4;
	v2 =	vand.u32 $0xF, v2  }
0x1a7: {  	s11 =	simm.s32 $0xC82;
	v2 =	vor.u32 v4, v2;
	v4 =	vmov s10  }
0x1a8: {  	s13 =	simm.s32 $0xC83;
	v5 =	vadd.s32 s11, v0;
	v4 =	vshll.u32 v4, $0x4  }
0x1a9: {  	v6 =	vadd.s32 s13, v0;
	v3 =	vand.u32 $0xF, v3;
	v4 =	vor.u32 v1, v4  }
0x1aa: {  	v3 =	vor.u32 v4, v3;
	_ =	sdelay $0x1  }
0x1ab: {  	s17 =	simm.s32 $0xFA1;
	v2 =	vld.idx.msk [tilespmem:v2+s14+$0x0], $0xffff  }
0x1ac: {  	v5 =	vld.idx.msk [tilespmem:v5+s9+$0x0], $0xffff;
	v4 =	vadd.s32 s17, v0  }
0x1ad: {  	v6 =	vld.idx.msk [tilespmem:v6+s9+$0x0], $0xffff  }
0x1ae: {  	v3 =	vld.idx.msk [tilespmem:v3+s14+$0x0], $0xffff  }
0x1af: {  	s18 =	simm.s32 $0xFA0;
	s22 =	simm.s32 $0xC0;
	s20 =	simm.s32 $0x1C340  }
0x1b0: {  	s21 =	simm.s32 $0x80;
	v8 =	vmov s22;
	[tilespmem:s20+$0x0] =	vst v2;
	v2 =	vadd.s32 s18, v0  }
0x1b1: {  	v8 =	vshll.u32 v8, $0x4;
	v7 =	vmov s21;
	v4 =	vld.idx.msk [tilespmem:v4+s9+$0x0], $0xffff  }
0x1b2: {  	v8 =	vor.u32 v1, v8;
	v7 =	vshll.u32 v7, $0x4;
	v6 =	vand.u32 $0xF, v6  }
0x1b3: {  	s23 =	simm.s32 $0x50;
	v5 =	vand.u32 $0xF, v5;
	v6 =	vor.u32 v8, v6;
	[tilespmem:s20+$0xFFFFFF80] =	vst v3;
	v3 =	vor.u32 v1, v7  }
0x1b4: {  	v9 =	vmov s23;
	s25 =	simm.s32 $0xC85;
	v3 =	vor.u32 v3, v5  }
0x1b5: {  	s1 =	simm.s32 $0xC84;
	v8 =	vadd.s32 s25, v0;
	v7 =	vshll.u32 v9, $0x4;
	v2 =	vld.idx.msk [tilespmem:v2+s9+$0x0], $0xffff  }
0x1b6: {  	s11 =	simm.s32 $0xFA3;
	s26 =	simm.s32 $0x20;
	v9 =	vadd.s32 s1, v0;
	v5 =	vor.u32 v1, v7;
	v4 =	vand.u32 $0xF, v4  }
0x1b7: {  	s24 =	simm.s32 $0x10;
	v11 =	vadd.s32 s11, v0;
	s10 =	simm.s32 $0x30;
	v7 =	vmov s26;
	v4 =	vor.u32 v5, v4  }
0x1b8: {  	v10 =	vmov s10;
	v6 =	vld.idx.msk [tilespmem:v6+s14+$0x0], $0xffff;
	v7 =	vshll.u32 v7, $0x4;
	v5 =	vmov s24  }
0x1b9: {  	s13 =	simm.s32 $0xFA2;
	v12 =	vor.u32 v1, v7;
	v7 =	vshll.u32 v10, $0x4;
	v5 =	vshll.u32 v5, $0x4;
	v3 =	vld.idx.msk [tilespmem:v3+s14+$0x0], $0xffff  }
0x1ba: {  	v8 =	vld.idx.msk [tilespmem:v8+s9+$0x0], $0xffff;
	v10 =	vadd.s32 s13, v0;
	v5 =	vor.u32 v1, v5;
	v2 =	vand.u32 $0xF, v2  }
0x1bb: {  	s21 =	simm.s32 $0x12C1;
	s17 =	simm.s32 $0x90;
	v9 =	vld.idx.msk [tilespmem:v9+s9+$0x0], $0xffff;
	v2 =	vor.u32 v5, v2  }
0x1bc: {  	v14 =	vadd.s32 s21, v0;
	s21 =	simm.s32 $0x1C440;
	s25 =	simm.s32 $0xC86;
	s18 =	simm.s32 $0xA0;
	v5 =	vld.idx.msk [tilespmem:v4+s14+$0x0], $0xffff;
	v4 =	vmov s17  }
0x1bd: {  	s22 =	simm.s32 $0xB0;
	v18 =	vadd.s32 s25, v0;
	[tilespmem:s21+$0x0] =	vst v6;
	v13 =	vmov s18;
	v4 =	vshll.u32 v4, $0x4  }
0x1be: {  	s23 =	simm.s32 $0x140;
	v11 =	vld.idx.msk [tilespmem:v11+s9+$0x0], $0xffff;
	s24 =	simm.s32 $0x12C0;
	v15 =	vor.u32 v1, v4;
	v4 =	vshll.u32 v13, $0x4;
	v13 =	vmov s22;
	[tilespmem:s21+$0xFFFFFF80] =	vst v3  }
0x1bf: {  	s26 =	simm.s32 $0x100;
	v17 =	vadd.s32 s24, v0;
	v6 =	vshll.u32 v13, $0x4;
	v13 =	vmov s23;
	v10 =	vld.idx.msk [tilespmem:v10+s9+$0x0], $0xffff  }
0x1c0: {  	v9 =	vand.u32 $0xF, v9;
	v3 =	vmov s26;
	v16 =	vld.idx.msk [tilespmem:v2+s14+$0x0], $0xffff;
	v2 =	vshll.u32 v13, $0x4  }
0x1c1: {  	s1 =	simm.s32 $0xD0;
	v3 =	vshll.u32 v3, $0x4;
	[tilespmem:s20+$0x10] =	vst v5;
	v2 =	vor.u32 v1, v2;
	v5 =	vand.u32 $0xF, v8  }
0x1c2: {  	v3 =	vor.u32 v1, v3;
	v5 =	vor.u32 v2, v5;
	v2 =	vmov s1  }
0x1c3: {  	v3 =	vor.u32 v3, v9;
	v2 =	vshll.u32 v2, $0x4  }
0x1c4: {  	v11 =	vand.u32 $0xF, v11;
	v8 =	vld.idx.msk [tilespmem:v14+s9+$0x0], $0xffff;
	v9 =	vor.u32 v1, v2  }
0x1c5: {  	v2 =	vor.u32 v1, v6;
	v10 =	vand.u32 $0xF, v10;
	v6 =	vor.u32 v9, v11  }
0x1c6: {  	s11 =	simm.s32 $0xC87;
	s10 =	simm.s32 $0x60;
	s13 =	simm.s32 $0xFA4;
	v7 =	vor.u32 v1, v7;
	[tilespmem:s20+$0xFFFFFF90] =	vst v16;
	v10 =	vor.u32 v15, v10;
	v16 =	vld.idx.msk [tilespmem:v18+s9+$0x0], $0xffff  }
0x1c7: {  	s17 =	simm.s32 $0x110;
	v14 =	vadd.s32 s11, v0;
	v9 =	vmov s10;
	v15 =	vadd.s32 s13, v0;
	s10 =	simm.s32 $0xC88;
	v13 =	vld.idx.msk [tilespmem:v17+s9+$0x0], $0xffff  }
0x1c8: {  	s22 =	simm.s32 $0xFA5;
	v11 =	vmov s17;
	v9 =	vshll.u32 v9, $0x4;
	v17 =	vld.idx.msk [tilespmem:v3+s14+$0x0], $0xffff;
	v20 =	vadd.s32 s10, v0  }
0x1c9: {  	s18 =	simm.s32 $0x120;
	v18 =	vadd.s32 s22, v0;
	v5 =	vld.idx.msk [tilespmem:v5+s14+$0x0], $0xffff;
	v9 =	vor.u32 v1, v9;
	v8 =	vand.u32 $0xF, v8  }
0x1ca: {  	s23 =	simm.s32 $0x130;
	v8 =	vor.u32 v9, v8;
	v9 =	vshll.u32 v11, $0x4;
	v11 =	vmov s18;
	v6 =	vld.idx.msk [tilespmem:v6+s14+$0x0], $0xffff  }
0x1cb: {  	v4 =	vor.u32 v1, v4;
	v19 =	vmov s23;
	s23 =	simm.s32 $0x15E1;
	v3 =	vshll.u32 v11, $0x4;
	v10 =	vld.idx.msk [tilespmem:v10+s14+$0x0], $0xffff  }
0x1cc: {  	v23 =	vadd.s32 s23, v0;
	s22 =	simm.s32 $0x1C540;
	s13 =	simm.s32 $0xFA6;
	s18 =	simm.s32 $0x1C0;
	v11 =	vor.u32 v1, v3;
	v3 =	vand.u32 $0xF, v13;
	v13 =	vld.idx.msk [tilespmem:v14+s9+$0x0], $0xffff  }
0x1cd: {  	s24 =	simm.s32 $0x12C3;
	v21 =	vadd.s32 s13, v0;
	v9 =	vor.u32 v1, v9;
	v22 =	vmov s18;
	[tilespmem:s22+$0xFFFFFF80] =	vst v17;
	v20 =	vld.idx.msk [tilespmem:v20+s9+$0x0], $0xffff  }
0x1ce: {  	s17 =	simm.s32 $0x180;
	v16 =	vand.u32 $0xF, v16;
	v14 =	vshll.u32 v19, $0x4;
	v19 =	vadd.s32 s24, v0;
	[tilespmem:s22+$0x0] =	vst v5;
	v15 =	vld.idx.msk [tilespmem:v15+s9+$0x0], $0xffff  }
0x1cf: {  	s25 =	simm.s32 $0x12C2;
	v22 =	vshll.u32 v22, $0x4;
	v12 =	vor.u32 v12, v3;
	v17 =	vld.idx.msk [tilespmem:v18+s9+$0x0], $0xffff;
	v18 =	vmov s17  }
0x1d0: {  	s26 =	simm.s32 $0x15E0;
	s24 =	simm.s32 $0x190;
	v3 =	vor.u32 v1, v14;
	v5 =	vadd.s32 s25, v0;
	v8 =	vld.idx.msk [tilespmem:v8+s14+$0x0], $0xffff;
	v18 =	vshll.u32 v18, $0x4  }
0x1d1: {  	v14 =	vadd.s32 s26, v0;
	v55 =	vmov s24;
	[tilespmem:s21+$0x10] =	vst v6;
	v6 =	vor.u32 v1, v18  }
0x1d2: {  	s25 =	simm.s32 $0x150;
	v18 =	vor.u32 v1, v22;
	v13 =	vand.u32 $0xF, v13;
	v6 =	vor.u32 v6, v16  }
0x1d3: {  	s26 =	simm.s32 $0x1A0;
	v19 =	vld.idx.msk [tilespmem:v19+s9+$0x0], $0xffff;
	v16 =	vmov s25;
	v20 =	vand.u32 $0xF, v20;
	v13 =	vor.u32 v18, v13  }
0x1d4: {  	[tilespmem:s21+$0xFFFFFF90] =	vst v10;
	v10 =	vld.idx.msk [tilespmem:v12+s14+$0x0], $0xffff;
	v12 =	vshll.u32 v55, $0x4;
	v18 =	vmov s26;
	v16 =	vshll.u32 v16, $0x4  }
0x1d5: {  	s11 =	simm.s32 $0xC89;
	s10 =	simm.s32 $0xE0;
	v22 =	vld.idx.msk [tilespmem:v5+s9+$0x0], $0xffff;
	v15 =	vand.u32 $0xF, v15;
	[tilespmem:s20+$0x20] =	vst v8;
	v5 =	vor.u32 v1, v16;
	v8 =	vand.u32 $0xF, v17  }
0x1d6: {  	v17 =	vadd.s32 s11, v0;
	v16 =	vld.idx.msk [tilespmem:v23+s9+$0x0], $0xffff;
	v8 =	vor.u32 v5, v8;
	v5 =	vmov s10  }
0x1d7: {  	s26 =	simm.s32 $0xC8A;
	v9 =	vor.u32 v9, v15;
	v15 =	vshll.u32 v18, $0x4;
	v5 =	vshll.u32 v5, $0x4  }
0x1d8: {  	s13 =	simm.s32 $0x70;
	v56 =	vadd.s32 s26, v0;
	v18 =	vor.u32 v1, v5;
	v19 =	vand.u32 $0xF, v19;
	v6 =	vld.idx.msk [tilespmem:v6+s14+$0x0], $0xffff  }
0x1d9: {  	s17 =	simm.s32 $0xFA7;
	v5 =	vor.u32 v1, v15;
	v13 =	vld.idx.msk [tilespmem:v13+s14+$0x0], $0xffff;
	v15 =	vor.u32 v18, v19;
	[tilespmem:s20+$0xFFFFFFA0] =	vst v10;
	v10 =	vmov s13  }
0x1da: {  	v18 =	vand.u32 $0xF, v22;
	v19 =	vadd.s32 s17, v0;
	v23 =	vld.idx.msk [tilespmem:v14+s9+$0x0], $0xffff;
	v10 =	vshll.u32 v10, $0x4  }
0x1db: {  	s18 =	simm.s32 $0x1B0;
	s25 =	simm.s32 $0x15E2;
	v14 =	vor.u32 v4, v18;
	v18 =	vld.idx.msk [tilespmem:v8+s14+$0x0], $0xffff;
	v4 =	vor.u32 v1, v10;
	v8 =	vand.u32 $0xF, v16  }
0x1dc: {  	s23 =	simm.s32 $0x12C5;
	v22 =	vadd.s32 s25, v0;
	s17 =	simm.s32 $0x240;
	v10 =	vmov s18;
	v16 =	vld.idx.msk [tilespmem:v17+s9+$0x0], $0xffff;
	v17 =	vor.u32 v4, v8  }
0x1dd: {  	s10 =	simm.s32 $0xFA8;
	v9 =	vld.idx.msk [tilespmem:v9+s14+$0x0], $0xffff;
	v57 =	vmov s17;
	s18 =	simm.s32 $0x15E3;
	v4 =	vshll.u32 v10, $0x4;
	v10 =	vadd.s32 s23, v0;
	s23 =	simm.s32 $0x1C640  }
0x1de: {  	s24 =	simm.s32 $0x12C4;
	v12 =	vor.u32 v1, v12;
	s11 =	simm.s32 $0x200;
	v8 =	vadd.s32 s10, v0;
	v58 =	vadd.s32 s18, v0;
	[tilespmem:s23+$0x0] =	vst v13;
	v15 =	vld.idx.msk [tilespmem:v15+s14+$0x0], $0xffff  }
0x1df: {  	v25 =	vshll.u32 v57, $0x4;
	[tilespmem:s23+$0xFFFFFF80] =	vst v6;
	v13 =	vadd.s32 s24, v0;
	s24 =	simm.s32 $0x210;
	v6 =	vld.idx.msk [tilespmem:v19+s9+$0x0], $0xffff;
	v19 =	vmov s11  }
0x1e0: {  	v4 =	vor.u32 v1, v4;
	v21 =	vld.idx.msk [tilespmem:v21+s9+$0x0], $0xffff;
	v59 =	vmov s24;
	v19 =	vshll.u32 v19, $0x4  }
0x1e1: {  	s25 =	simm.s32 $0x1D0;
	[tilespmem:s22+$0x10] =	vst v18;
	v16 =	vand.u32 $0xF, v16;
	v17 =	vld.idx.msk [tilespmem:v17+s14+$0x0], $0xffff;
	v18 =	vor.u32 v1, v19;
	v19 =	vor.u32 v1, v25  }
0x1e2: {  	v23 =	vand.u32 $0xF, v23;
	v10 =	vld.idx.msk [tilespmem:v10+s9+$0x0], $0xffff;
	v16 =	vor.u32 v19, v16;
	v19 =	vmov s25  }
0x1e3: {  	[tilespmem:s22+$0xFFFFFF90] =	vst v9;
	s11 =	simm.s32 $0xC8B;
	v9 =	vshll.u32 v59, $0x4;
	v18 =	vor.u32 v18, v20;
	v20 =	vld.idx.msk [tilespmem:v14+s14+$0x0], $0xffff;
	v19 =	vshll.u32 v19, $0x4  }
0x1e4: {  	s10 =	simm.s32 $0x160;
	v62 =	vadd.s32 s11, v0;
	v13 =	vld.idx.msk [tilespmem:v13+s9+$0x0], $0xffff;
	[tilespmem:s21+$0x20] =	vst v15;
	v15 =	vor.u32 v1, v19;
	v6 =	vand.u32 $0xF, v6  }
0x1e5: {  	s26 =	simm.s32 $0x220;
	v60 =	vld.idx.msk [tilespmem:v58+s9+$0x0], $0xffff;
	v19 =	vand.u32 $0xF, v21;
	v61 =	vor.u32 v15, v6;
	v6 =	vmov s10  }
0x1e6: {  	v14 =	vmov s26;
	v15 =	vld.idx.msk [tilespmem:v56+s9+$0x0], $0xffff;
	v63 =	vor.u32 v12, v19;
	v6 =	vshll.u32 v6, $0x4  }
0x1e7: {  	s13 =	simm.s32 $0xF0;
	v12 =	vshll.u32 v14, $0x4;
	v10 =	vand.u32 $0xF, v10;
	v19 =	vld.idx.msk [tilespmem:v16+s14+$0x0], $0xffff;
	v14 =	vor.u32 v1, v6  }
0x1e8: {  	s30 =	simm.s32 $0x6;
	s31 =	simm.s32 $0x8;
	s17 =	simm.s32 $0xFA9;
	v18 =	vld.idx.msk [tilespmem:v18+s14+$0x0], $0xffff;
	v6 =	vor.u32 v1, v12;
	[tilespmem:s21+$0xFFFFFFA0] =	vst v20;
	v12 =	vmov s13;
	v14 =	vor.u32 v14, v10  }
0x1e9: {  	s29 =	simm.s32 $0x270;
	s28 =	simm.s32 $0x4;
	s0 =	simm.s32 $0x2;
	v21 =	vadd.s32 s17, v0;
	v13 =	vand.u32 $0xF, v13;
	v10 =	vld.idx.msk [tilespmem:v22+s9+$0x0], $0xffff;
	v20 =	vshll.u32 v12, $0x4  }
0x1ea: {  	s1 =	simm.s32 $0x270;
	s18 =	simm.s32 $0x230;
	s24 =	simm.s32 $0x12C7;
	v22 =	vld.idx.msk [tilespmem:v62+s9+$0x0], $0xffff;
	v12 =	vor.u32 v11, v13;
	v11 =	vor.u32 v1, v20;
	v13 =	vand.u32 $0xF, v60  }
0x1eb: {  	s11 =	simm.s32 $0xA;
	v7 =	vor.u32 v7, v23;
	s26 =	simm.s32 $0x170;
	s25 =	simm.s32 $0x1F0;
	v20 =	vmov s18;
	v16 =	vld.idx.msk [tilespmem:v61+s14+$0x0], $0xffff;
	v11 =	vor.u32 v11, v13  }
0x1ec: {  	v9 =	vor.u32 v1, v9;
	s17 =	simm.s32 $0x12C6;
	[tilespmem:s20+$0x30] =	vst v17;
	s13 =	simm.s32 $0x15E4;
	v13 =	vshll.u32 v20, $0x4;
	v17 =	vld.idx.msk [tilespmem:v63+s14+$0x0], $0xffff;
	v20 =	vadd.s32 s24, v0;
	s24 =	simm.s32 $0x1C740  }
.LBB2_8:
0x1ed: {  	s18 =	sadd.s32 $0xC82, s11;
	s10 =	sadd.s32 $0xFA2, s31;
	[tilespmem:s24+$0x0] =	vst v19;
	s1 =	sadd.s32 $0x80, s1;
	v19 =	vadd.s32 s17, v0;
	v23 =	vadd.s32 s13, v0;
	v14 =	vld.idx.msk [tilespmem:v14+s14+$0x0], $0xffff;
	v24 =	vmovc v4;
	v4 =	vor.u32 v1, v13  }
0x1ee: {  	v15 =	vand.u32 $0xF, v15;
	s0 =	sadd.s32 $0x15E3, s0;
	v13 =	vadd.s32 s18, v0;
	s13 =	sadd.s32 $0xFFFFFF90, s1;
	v29 =	vadd.s32 s10, v0;
	s10 =	sadd.s32 $0xFFFFFFD0, s1;
	[tilespmem:s24+$0xFFFFFF80] =	vst v18;
	v18 =	vld.idx.msk [tilespmem:v21+s9+$0x0], $0xffff  }
0x1ef: {  	s17 =	sadd.s32 $0xFFFFFFA0, s1;
	s18 =	sadd.s32 $0xFFFFFFB0, s1;
	v28 =	vadd.s32 s0, v0;
	v25 =	vmovc v10;
	v21 =	vmov s13;
	s13 =	sadd.s32 $0xFFFFFFC0, s1;
	v26 =	vmov s10;
	v27 =	vld.idx.msk [tilespmem:v8+s9+$0x0], $0xffff;
	v8 =	vmovc v29  }
0x1f0: {  	s0 =	smov.u32 s28;
	s28 =	smov.u32 s30;
	s30 =	smov.u32 s31;
	v10 =	vshll.u32 v21, $0x4;
	v21 =	vmov s17;
	v26 =	vshll.u32 v26, $0x4;
	[tilespmem:s23+$0x10] =	vst v16;
	v11 =	vld.idx.msk [tilespmem:v11+s14+$0x0], $0xffff  }
0x1f1: {  	s31 =	smov.u32 s11;
	s10 =	sadd.s32 $0xFFFFFFE0, s29;
	v22 =	vand.u32 $0xF, v22;
	s17 =	smov.u32 s22;
	v10 =	vor.u32 v1, v10;
	v16 =	vor.u32 v1, v26;
	v20 =	vld.idx.msk [tilespmem:v20+s9+$0x0], $0xffff  }
0x1f2: {  	s22 =	smov.u32 s23;
	v10 =	vor.u32 v10, v15;
	v16 =	vor.u32 v16, v22;
	v15 =	vmov s10;
	[tilespmem:s23+$0xFFFFFF90] =	vst v17;
	v12 =	vld.idx.msk [tilespmem:v12+s14+$0x0], $0xffff;
	s23 =	smov.u32 s24  }
0x1f3: {  	v17 =	vshll.u32 v21, $0x4;
	v21 =	vmov s18;
	v15 =	vshll.u32 v15, $0x4;
	v22 =	vld.idx.msk [tilespmem:v19+s9+$0x0], $0xffff;
	[tilespmem:s17+$0x20] =	vst v14  }
0x1f4: {  	s10 =	sadd.s32 $0xFFFFFFF0, s25;
	v14 =	vor.u32 v1, v17;
	v17 =	vand.u32 $0xF, v18;
	v15 =	vor.u32 v1, v15;
	v26 =	vld.idx.msk [tilespmem:v28+s9+$0x0], $0xffff  }
0x1f5: {  	s11 =	sadd.s32 $0x2, s11;
	s18 =	sadd.s32 $0xC83, s31;
	v19 =	vmov s10;
	v18 =	vand.u32 $0xF, v27;
	v17 =	vor.u32 v15, v17;
	v7 =	vld.idx.msk [tilespmem:v7+s14+$0x0], $0xffff  }
0x1f6: {  	p0 =	slt.u32 s11, $0x30;
	v27 =	vor.u32 v9, v18;
	v18 =	vshll.u32 v19, $0x4;
	v9 =	vmovc v14;
	v15 =	vld.idx.msk [tilespmem:v13+s9+$0x0], $0xffff;
	v13 =	vadd.s32 s18, v0;
	[tilespmem:s21+$0x30] =	vst v11  }
0x1f7: {  	v11 =	vshll.u32 v21, $0x4;
	v14 =	vor.u32 v1, v18;
	v19 =	vld.idx.msk [tilespmem:v16+s14+$0x0], $0xffff;
	v16 =	vand.u32 $0xF, v20  }
.Ltmp3:
0x1f8: {  	s10 =	sadd.s32 $0xFA3, s30;
	v20 =	vor.u32 v1, v11;
	v11 =	vmov s26;
	s26 =	smov.u32 s25;
	v18 =	vld.idx.msk [tilespmem:v10+s14+$0x0], $0xffff;
	v14 =	vor.u32 v14, v16;
	[tilespmem:s17+$0xFFFFFFA0] =	vst v12;
	(pc) =	sbr.rel @p0 .LBB2_8-.Ltmp3, $4  }
0x1f9: {  	v21 =	vadd.s32 s10, v0;
	s25 =	smov.u32 s29;
	s29 =	smov.u32 s1;
	v12 =	vand.u32 $0xF, v22;
	v11 =	vshll.u32 v11, $0x4;
	v10 =	vld.idx.msk [tilespmem:v23+s9+$0x0], $0xffff  }
0x1fa: {  	v12 =	vor.u32 v5, v12;
	v11 =	vor.u32 v1, v11;
	v5 =	vmovc v6;
	v16 =	vld.idx.msk [tilespmem:v17+s14+$0x0], $0xffff;
	v17 =	vand.u32 $0xF, v26  }
0x1fb: {  	s10 =	sadd.s32 $0x12C3, s28;
	v23 =	vand.u32 $0xF, v25;
	v6 =	vmovc v20;
	v22 =	vld.idx.msk [tilespmem:v13+s9+$0x0], $0xffff;
	v13 =	vmov s13;
	v11 =	vor.u32 v11, v17;
	[tilespmem:s20+$0xFFFFFFB0] =	vst v7;
	s20 =	smov.u32 s21;
	s21 =	smov.u32 s17  }
0x1fc: {  	s24 =	sadd.s32 $0x100, s24;
	v20 =	vadd.s32 s10, v0;
	s17 =	sadd.s32 $0x12C2, s28;
	s13 =	sadd.s32 $0x15E2, s0;
	v7 =	vor.u32 v2, v23;
	v2 =	vmovc v3;
	v3 =	vmovc v24;
	v13 =	vshll.u32 v13, $0x4;
	v17 =	vld.idx.msk [tilespmem:v27+s14+$0x0], $0xffff  }
0x1fd: {  	s11 =	sadd.s32 $0x80, s1  }
0x1fe: {  	s1 =	sadd.s32 $0xFFFFFFD0, s11  }
0x1ff: {  	s10 =	sadd.s32 $0xFFFFFF90, s11;
	v23 =	vmov s1  }
0x200: {  	v24 =	vmov s10;
	v23 =	vshll.u32 v23, $0x4  }
0x201: {  	v22 =	vand.u32 $0xF, v22;
	v24 =	vshll.u32 v24, $0x4;
	v23 =	vor.u32 v1, v23  }
0x202: {  	v15 =	vand.u32 $0xF, v15;
	v48 =	vor.u32 v1, v24;
	v22 =	vor.u32 v23, v22  }
0x203: {  	v15 =	vor.u32 v48, v15;
	_ =	sdelay $0x3  }
0x204: {  	s18 =	sadd.s32 $0xFA3, s31;
	v22 =	vld.idx.msk [tilespmem:v22+s14+$0x0], $0xffff  }
0x205: {  	[tilespmem:s24+$0xFFFFFF80] =	vst v18;
	v49 =	vadd.s32 s18, v0;
	s10 =	sadd.s32 $0xFA2, s31;
	v15 =	vld.idx.msk [tilespmem:v15+s14+$0x0], $0xffff  }
0x206: {  	v8 =	vld.idx.msk [tilespmem:v8+s9+$0x0], $0xffff;
	v50 =	vadd.s32 s10, v0;
	_ =	sdelay $0x1  }
0x207: {  	[tilespmem:s24+$0x0] =	vst v19;
	s1 =	sadd.s32 $0x100, s24  }
0x208: {  	v21 =	vld.idx.msk [tilespmem:v21+s9+$0x0], $0xffff;
	[tilespmem:s1+$0x0] =	vst v22  }
0x209: {  	[tilespmem:s1+$0xFFFFFF80] =	vst v15;
	v51 =	vld.idx.msk [tilespmem:v49+s9+$0x0], $0xffff  }
0x20a: {  	v55 =	vadd.s32 s17, v0;
	s18 =	sadd.s32 $0xFFFFFFE0, s11;
	s10 =	sadd.s32 $0xFFFFFFE0, s29;
	v8 =	vand.u32 $0xF, v8;
	v19 =	vld.idx.msk [tilespmem:v50+s9+$0x0], $0xffff  }
0x20b: {  	v54 =	vmov s18;
	s18 =	sadd.s32 $0xFFFFFFA0, s11;
	v52 =	vmov s10;
	v8 =	vor.u32 v9, v8  }
0x20c: {  	v56 =	vshll.u32 v54, $0x4;
	v57 =	vmov s18;
	v53 =	vshll.u32 v52, $0x4  }
0x20d: {  	v21 =	vand.u32 $0xF, v21;
	v15 =	vor.u32 v1, v53;
	v22 =	vshll.u32 v57, $0x4  }
0x20e: {  	v15 =	vor.u32 v15, v21;
	v21 =	vor.u32 v1, v56;
	v18 =	vand.u32 $0xF, v51  }
0x20f: {  	s18 =	sadd.s32 $0x12C3, s31;
	v58 =	vor.u32 v1, v22;
	v59 =	vand.u32 $0xF, v19;
	v18 =	vor.u32 v21, v18  }
0x210: {  	[tilespmem:s23+$0x10] =	vst v16;
	v63 =	vadd.s32 s18, v0;
	s18 =	sadd.s32 $0x12C2, s30;
	v8 =	vld.idx.msk [tilespmem:v8+s14+$0x0], $0xffff;
	v9 =	vor.u32 v58, v59  }
0x211: {  	v60 =	vld.idx.msk [tilespmem:v20+s9+$0x0], $0xffff;
	[tilespmem:s23+$0xFFFFFF90] =	vst v17;
	v25 =	vadd.s32 s18, v0  }
0x212: {  	v61 =	vld.idx.msk [tilespmem:v55+s9+$0x0], $0xffff  }
0x213: {  	s17 =	sadd.s32 $0x12C3, s30;
	v15 =	vld.idx.msk [tilespmem:v15+s14+$0x0], $0xffff  }
0x214: {  	v62 =	vadd.s32 s17, v0;
	s17 =	sadd.s32 $0xFFFFFFF0, s25;
	v18 =	vld.idx.msk [tilespmem:v18+s14+$0x0], $0xffff  }
0x215: {  	v24 =	vmov s17;
	s17 =	sadd.s32 $0x12C2, s31;
	[tilespmem:s24+$0xFFFFFF90] =	vst v8;
	v9 =	vld.idx.msk [tilespmem:v9+s14+$0x0], $0xffff  }
0x216: {  	v26 =	vadd.s32 s17, v0;
	v29 =	vld.idx.msk [tilespmem:v25+s9+$0x0], $0xffff;
	_ =	sdelay $0x1  }
0x217: {  	v14 =	vld.idx.msk [tilespmem:v14+s14+$0x0], $0xffff;
	[tilespmem:s24+$0x10] =	vst v15  }
0x218: {  	v31 =	vadd.s32 s13, v0;
	v16 =	vand.u32 $0xF, v61;
	v21 =	vshll.u32 v24, $0x4;
	v17 =	vld.idx.msk [tilespmem:v62+s9+$0x0], $0xffff;
	[tilespmem:s1+$0x10] =	vst v18  }
0x219: {  	s0 =	sadd.s32 $0x15E3, s0;
	v5 =	vor.u32 v5, v16;
	v19 =	vand.u32 $0xF, v60;
	v21 =	vor.u32 v1, v21;
	[tilespmem:s1+$0xFFFFFF90] =	vst v9;
	v27 =	vld.idx.msk [tilespmem:v63+s9+$0x0], $0xffff  }
0x21a: {  	v28 =	vadd.s32 s0, v0;
	s13 =	sadd.s32 $0xFFFFFFF0, s11;
	s18 =	sadd.s32 $0xFFFFFFF0, s29;
	v38 =	vand.u32 $0xF, v29;
	v19 =	vor.u32 v21, v19;
	v15 =	vld.idx.msk [tilespmem:v26+s9+$0x0], $0xffff  }
0x21b: {  	v12 =	vld.idx.msk [tilespmem:v12+s14+$0x0], $0xffff;
	v33 =	vmov s13;
	s17 =	sadd.s32 $0xFFFFFFB0, s11;
	v30 =	vmov s18;
	v6 =	vor.u32 v6, v38  }
0x21c: {  	v35 =	vshll.u32 v33, $0x4;
	v34 =	vmov s17;
	v32 =	vshll.u32 v30, $0x4  }
0x21d: {  	v37 =	vshll.u32 v34, $0x4;
	v16 =	vor.u32 v1, v32;
	v17 =	vand.u32 $0xF, v17  }
0x21e: {  	v5 =	vld.idx.msk [tilespmem:v5+s14+$0x0], $0xffff;
	v16 =	vor.u32 v16, v17;
	v17 =	vor.u32 v1, v35;
	v8 =	vand.u32 $0xF, v27  }
0x21f: {  	[tilespmem:s22+$0x20] =	vst v14;
	v39 =	vor.u32 v1, v37;
	v19 =	vld.idx.msk [tilespmem:v19+s14+$0x0], $0xffff;
	v40 =	vand.u32 $0xF, v15;
	v8 =	vor.u32 v17, v8  }
0x220: {  	[tilespmem:s22+$0xFFFFFFA0] =	vst v12;
	s18 =	sadd.s32 $0x15E3, s28;
	v6 =	vld.idx.msk [tilespmem:v6+s14+$0x0], $0xffff;
	v12 =	vor.u32 v39, v40  }
0x221: {  	s13 =	sadd.s32 $0x15E2, s28;
	v36 =	vadd.s32 s18, v0;
	v18 =	vld.idx.msk [tilespmem:v28+s9+$0x0], $0xffff  }
0x222: {  	v43 =	vadd.s32 s13, v0;
	s18 =	sadd.s32 $0x15E2, s30;
	v9 =	vld.idx.msk [tilespmem:v31+s9+$0x0], $0xffff  }
0x223: {  	s10 =	sadd.s32 $0x15E3, s30;
	v46 =	vadd.s32 s18, v0;
	v41 =	vld.idx.msk [tilespmem:v16+s14+$0x0], $0xffff  }
0x224: {  	v42 =	vadd.s32 s10, v0;
	s17 =	sadd.s32 $0x15E3, s31;
	v8 =	vld.idx.msk [tilespmem:v8+s14+$0x0], $0xffff  }
0x225: {  	v45 =	vmov s26;
	s26 =	sadd.s32 $0x15E2, s31;
	v44 =	vadd.s32 s17, v0;
	[tilespmem:s23+$0x20] =	vst v19;
	v12 =	vld.idx.msk [tilespmem:v12+s14+$0x0], $0xffff  }
0x226: {  	v13 =	vor.u32 v1, v13;
	v47 =	vadd.s32 s26, v0;
	v10 =	vand.u32 $0xF, v10;
	[tilespmem:s23+$0xFFFFFFA0] =	vst v5;
	v14 =	vld.idx.msk [tilespmem:v36+s9+$0x0], $0xffff  }
0x227: {  	v2 =	vor.u32 v2, v10;
	v20 =	vshll.u32 v45, $0x4;
	v52 =	vmov s29;
	[tilespmem:s24+$0xFFFFFFA0] =	vst v6;
	v17 =	vld.idx.msk [tilespmem:v43+s9+$0x0], $0xffff  }
0x228: {  	v20 =	vor.u32 v1, v20;
	v48 =	vmov s25;
	s28 =	sadd.s32 $0xFFFFFFC0, s11;
	v54 =	vshll.u32 v52, $0x4;
	v53 =	vld.idx.msk [tilespmem:v46+s9+$0x0], $0xffff;
	[tilespmem:s24+$0x20] =	vst v41  }
0x229: {  	v57 =	vmov s11;
	v49 =	vmov s28;
	v18 =	vand.u32 $0xF, v18;
	v16 =	vld.idx.msk [tilespmem:v42+s9+$0x0], $0xffff;
	[tilespmem:s1+$0x20] =	vst v8  }
0x22a: {  	v5 =	vshll.u32 v48, $0x4;
	v9 =	vand.u32 $0xF, v9;
	v18 =	vor.u32 v20, v18;
	[tilespmem:s1+$0xFFFFFFA0] =	vst v12;
	v50 =	vld.idx.msk [tilespmem:v44+s9+$0x0], $0xffff  }
0x22b: {  	v5 =	vor.u32 v1, v5;
	v3 =	vor.u32 v3, v9;
	v51 =	vand.u32 $0xF, v14;
	v55 =	vld.idx.msk [tilespmem:v47+s9+$0x0], $0xffff  }
0x22c: {  	v11 =	vld.idx.msk [tilespmem:v11+s14+$0x0], $0xffff;
	v9 =	vor.u32 v1, v54;
	v5 =	vor.u32 v5, v51;
	v58 =	vand.u32 $0xF, v17  }
0x22d: {  	v7 =	vld.idx.msk [tilespmem:v7+s14+$0x0], $0xffff;
	v14 =	vshll.u32 v57, $0x4;
	v61 =	vand.u32 $0xF, v53;
	v4 =	vor.u32 v4, v58  }
0x22e: {  	v2 =	vld.idx.msk [tilespmem:v2+s14+$0x0], $0xffff;
	v60 =	vor.u32 v1, v14;
	v56 =	vand.u32 $0xF, v16;
	v12 =	vor.u32 v13, v61  }
0x22f: {  	v59 =	vld.idx.msk [tilespmem:v18+s14+$0x0], $0xffff;
	v8 =	vshll.u32 v49, $0x4;
	v9 =	vor.u32 v9, v56;
	v6 =	vand.u32 $0xF, v50  }
0x230: {  	v3 =	vld.idx.msk [tilespmem:v3+s14+$0x0], $0xffff;
	v8 =	vor.u32 v1, v8;
	v10 =	vand.u32 $0xF, v55;
	v6 =	vor.u32 v60, v6  }
0x231: {  	[tilespmem:s21+$0x30] =	vst v11;
	v5 =	vld.idx.msk [tilespmem:v5+s14+$0x0], $0xffff;
	v8 =	vor.u32 v8, v10  }
0x232: {  	[tilespmem:s20+$0xFFFFFFB0] =	vst v7;
	v4 =	vld.idx.msk [tilespmem:v4+s14+$0x0], $0xffff  }
0x233: {  	[tilespmem:s21+$0xFFFFFFB0] =	vst v2;
	v63 =	vld.idx.msk [tilespmem:v12+s14+$0x0], $0xffff  }
0x234: {  	[tilespmem:s22+$0x30] =	vst v59;
	v62 =	vld.idx.msk [tilespmem:v9+s14+$0x0], $0xffff  }
0x235: {  	[tilespmem:s22+$0xFFFFFFB0] =	vst v3;
	v2 =	vld.idx.msk [tilespmem:v6+s14+$0x0], $0xffff  }
0x236: {  	[tilespmem:s23+$0x30] =	vst v5;
	v3 =	vld.idx.msk [tilespmem:v8+s14+$0x0], $0xffff  }
0x237: {  	[tilespmem:s23+$0xFFFFFFB0] =	vst v4  }
0x238: {  	[tilespmem:s24+$0xFFFFFFB0] =	vst v63  }
0x239: {  	s19 =	sadd.s32 $0x1, s19;
	[tilespmem:s24+$0x30] =	vst v62  }
0x23a: {  	p0 =	sne.s32 s19, s7;
	[tilespmem:s1+$0x30] =	vst v2  }
.Ltmp4:
0x23b: {  	s31 =	simm.s32 $0x1C280;
	s30 =	simm.s32 $0x1000;
	[tilespmem:s1+$0xFFFFFFB0] =	vst v3;
	(pc) =	sbr.rel @p0 .LBB2_1-.Ltmp4, $4  }
0x23c: {  	[hbm4b:s6+s9] =	stream.strided.scatter [tilespmem:s31], [sflag:$0x3], $0x1900, s30, s9, $0x38;
	[tilespmem:$0x1DB80] =	vst v63  }
0x23d: {  	_ =	swait.ge [sflag:s8], $0x1900  }
0x23e: {  	[sflag:s8] =	ssyncset.done $0x0  }
0x23f: {  	s10 =	simm.s32 $0xC80;
	[sflag:s8] =	ssyncadd.s32 $0xFFFFE700  }
0x240: {  	_ =	sfence.sel $0x180000  }
0x241: {  	[bflag:$0x0] =	sbarrier.arrive $0xFFFF  }
0x242: {  	_ =	strace $0x90000047  }
0x243: {  	s0 =	stileid.u32;
	[bflag:$0x2] =	sbarrier.arrive $0xFFFF  }
0x244: {  	p0 =	sne.s32 s0, $0x0;
	s0 =	rddreg [dreg:$0x3]  }
0x245: {  	s0 =	sadd.s32 @!p0 $0x100000, s0  }
0x246: {  	[sflag:s0] =	ssyncadd.tile.s32 @!p0 $0x1;
	_ =	shalt  }
.Lfunc_end2:
_tile_overlayer_lowered:
.L_overlay_start_2:
0x247: {  	(tag) =	ssettag $0x2  }
0x248: {  	s0 =	rddreg [dreg:$0x0];
	s2 =	stileid.u32  }
0x249: {  	s1 =	rddreg [dreg:$0x1];
	p0 =	sne.s32 s2, $0x0  }
0x24a: {  	s3 =	rddreg [dreg:$0x2];
	[bflag:$0x3] =	sbarrier.arrive $0xFFFF;
	s2 =	simm.s32 @!p0 $0x1C03  }
0x24b: {  	[timem:s3], [sflag:s2] =	dma.local @!p0 [hbm:s0], s1  }
0x24c: {  	s0 =	simm.s32 @!p0 $0x3  }
0x24d: {  	_ =	swait.ge @!p0 [sflag:s0], s1  }
0x24e: {  	s1 =	ssub.s32 @!p0 $0x0, s1;
	[sflag:s0] =	ssyncset.done @!p0 $0x0  }
0x24f: {  	[sflag:s0] =	ssyncadd.s32 @!p0 s1  }
0x250: {  	[bflag:$0x3] =	sbarrier.arrive $0xFFFF  }
0x251: {  	_ =	shalt  }

</sc_bundles>
